<compile_context>
chip_gen: v7x
topology: tpu7x:2x2x1
jax: 0.10.2.dev20260603
libtpu: 0.0.44.dev20260713+nightly
codegen_flags: <defaults>
</compile_context>

<pallas_src>
import functools
import math

import jax
import jax.numpy as jnp
from jax import lax
from jax.experimental import pallas as pl
from jax.experimental.pallas import tpu as pltpu
from jax.experimental.pallas import tpu_sc as plsc

_NUM_CORES = 2
_NUM_SUBCORES = 16
_NUM_WORKERS = _NUM_CORES * _NUM_SUBCORES
_LANES = 16

_NBUF = 5
_LEAD = 3


def _make_gather(NB, S, V, D):
    b_per_w = NB // _NUM_WORKERS
    n_groups = S // _NBUF
    scale = math.sqrt(D)
    mesh = plsc.VectorSubcoreMesh(core_axis_name="c", subcore_axis_name="s")

    @functools.partial(
        pl.kernel,
        out_type=jax.ShapeDtypeStruct((S, NB, D), jnp.float32),
        mesh=mesh,
        scratch_types=[
            pltpu.VMEM((S, b_per_w), jnp.int32),
            [pltpu.VMEM((b_per_w, D), jnp.float32) for _ in range(_NBUF)],
            [pltpu.SemaphoreType.DMA for _ in range(_NBUF)],
            [pltpu.SemaphoreType.DMA for _ in range(_NBUF)],
        ],
    )
    def gather_kernel(idx_hbm, table_hbm, out_hbm, idx_v, bufs, gsems, ssems):
        wid = lax.axis_index("s") * _NUM_CORES + lax.axis_index("c")
        b_base = wid * b_per_w
        def fire_gather(t, b):
            pltpu.async_copy(table_hbm.at[idx_v.at[t]], bufs[b], gsems[b])

        def wait_scatter(b):
            pltpu.make_async_copy(
                bufs[b], out_hbm.at[0, pl.ds(0, b_per_w)], ssems[b]
            ).wait()

        pltpu.sync_copy(idx_hbm.at[:, pl.ds(b_base, b_per_w)], idx_v)
        for b in range(_LEAD):
            fire_gather(b, b)

        def group_body(g, carry):
            for b in range(_NBUF):
                t = g * _NBUF + b
                pltpu.make_async_copy(
                    table_hbm.at[idx_v.at[t]], bufs[b], gsems[b]
                ).wait()

                bb = (b + _LEAD) % _NBUF

                @pl.when(t >= _NBUF - _LEAD)
                def _():
                    wait_scatter(bb)

                @pl.when(t + _LEAD < S)
                def _():
                    fire_gather(t + _LEAD, bb)

                @plsc.parallel_loop(0, b_per_w, unroll=4)
                def scale_rows(r):
                    for k in range(D // _LANES):
                        sl = pl.ds(k * _LANES, _LANES)
                        bufs[b][r, sl] = bufs[b][r, sl] * scale

                pltpu.async_copy(
                    bufs[b], out_hbm.at[t, pl.ds(b_base, b_per_w)], ssems[b]
                )

            return carry

        lax.fori_loop(0, n_groups, group_body, 0)

        for t in range(S - (_NBUF - _LEAD), S):
            wait_scatter(t % _NBUF)

    return gather_kernel


@jax.jit
def kernel(input, coordinates):
    V, D = coordinates.shape
    NB, S = input.shape
    idx_t = jnp.transpose(input.astype(jnp.int32), (1, 0))
    out_t = _make_gather(NB, S, V, D)(idx_t, coordinates)
    return jnp.transpose(out_t, (1, 0, 2))

# --- scband reference (transcript-rebuilt; emitter-appended) ---
"""Pipeline reference for scband-embedding-5901285064792 (READ-ONLY COPY).

The authoritative reference and input builder live on the scoring server;
editing this copy changes nothing except your own understanding.
"""

import jax, jax.numpy as jnp
import numpy as np
import math

VOCAB_SIZE = 100000
D_MODEL = 128

def setup_inputs(seed: int = 0) -> dict:
    key = jax.random.key(seed)
    k1, k2 = jax.random.split(key)
    input_idx = jax.random.randint(k1, (4096, 50), 0, VOCAB_SIZE, dtype=jnp.int64 if jax.config.jax_enable_x64 else jnp.int32)
    # kaiming uniform with a=sqrt(5) on (vocab, d_model): bound = sqrt(6 / ((1 + a^2) * fan_in)), fan_in = d_model
    a = math.sqrt(5)
    gain = math.sqrt(2.0 / (1 + a ** 2))
    bound = gain * math.sqrt(3.0 / D_MODEL)
    coordinates = jax.random.uniform(k2, (VOCAB_SIZE, D_MODEL), minval=-bound, maxval=bound, dtype=jnp.float32)
    return {"input": input_idx, "coordinates": coordinates}

def reference(input, coordinates):
    normalization = math.sqrt(D_MODEL)
    return normalization * jnp.take(coordinates, input, axis=0)

if __name__ == "__main__":
    import jax
    _d = setup_inputs()
    print(jax.jit(kernel)(*tuple(_d.values())))

</pallas_src>

<mosaic_0001>
#map = affine_map<(d0, d1) -> (0, 0)>
#map1 = affine_map<(d0, d1) -> (0, 0, 0)>
module attributes {stable_mosaic.version = 14 : i64} {
  func.func @gather_kernel(%arg0: i32, %arg1: i32, %arg2: memref<50x4096xi32, #tpu.memory_space<hbm>>, %arg3: memref<100000x128xf32, #tpu.memory_space<hbm>>, %arg4: memref<50x4096x128xf32, #tpu.memory_space<hbm>>, %arg5: memref<50x128xi32, #tpu.memory_space<vmem>>, %arg6: memref<128x128xf32, #tpu.memory_space<vmem>>, %arg7: memref<128x128xf32, #tpu.memory_space<vmem>>, %arg8: memref<128x128xf32, #tpu.memory_space<vmem>>, %arg9: memref<128x128xf32, #tpu.memory_space<vmem>>, %arg10: memref<128x128xf32, #tpu.memory_space<vmem>>, %arg11: memref<!tpu.dma_semaphore, #tpu.memory_space<semaphore_mem>>, %arg12: memref<!tpu.dma_semaphore, #tpu.memory_space<semaphore_mem>>, %arg13: memref<!tpu.dma_semaphore, #tpu.memory_space<semaphore_mem>>, %arg14: memref<!tpu.dma_semaphore, #tpu.memory_space<semaphore_mem>>, %arg15: memref<!tpu.dma_semaphore, #tpu.memory_space<semaphore_mem>>, %arg16: memref<!tpu.dma_semaphore, #tpu.memory_space<semaphore_mem>>, %arg17: memref<!tpu.dma_semaphore, #tpu.memory_space<semaphore_mem>>, %arg18: memref<!tpu.dma_semaphore, #tpu.memory_space<semaphore_mem>>, %arg19: memref<!tpu.dma_semaphore, #tpu.memory_space<semaphore_mem>>, %arg20: memref<!tpu.dma_semaphore, #tpu.memory_space<semaphore_mem>>) attributes {dimension_semantics = [#tpu.dimension_semantics<core_parallel>, #tpu.dimension_semantics<subcore_parallel>], iteration_bounds = array<i64: 2, 16>, scalar_prefetch = 0 : i64, scratch_operands = 16 : i64, tpu.core_type = #tpu.core_type<sc_vector_subcore>, window_params = [{transform_indices = #map}, {transform_indices = #map}, {transform_indices = #map1}]} {
    %mul3A = arith.constant 2 : i32
    %mul3A_0 = arith.muli %arg1, %mul3A : i32
    %add3A = arith.addi %mul3A_0, %arg0 : i32
    %mul3A_1 = arith.constant 128 : i32
    %mul3A_2 = arith.muli %add3A, %mul3A_1 : i32
    "tpu.region"() ({
      %run_scoped3A = tpu.sem_alloc : memref<!tpu.dma_semaphore, #tpu.memory_space<semaphore_mem>>
      %dma_start3A_45 = arith.constant 0 : i32
      %dma_start3A_46 = tpu.memref_slice %arg2[%dma_start3A_45, %mul3A_2] : memref<50x4096xi32, #tpu.memory_space<hbm>> -> memref<50x128xi32, #tpu.memory_space<hbm>>
      %dma_start3A_47 = arith.constant 0 : i32
      %dma_start3A_48 = tpu.memref_slice %arg2[%dma_start3A_47, %mul3A_2] : memref<50x4096xi32, #tpu.memory_space<hbm>> -> memref<50x128xi32, #tpu.memory_space<hbm>>
      tpu.enqueue_dma source(%dma_start3A_48 : memref<50x128xi32, #tpu.memory_space<hbm>>) target(%arg5 : memref<50x128xi32, #tpu.memory_space<vmem>>) target_semaphore(%run_scoped3A : memref<!tpu.dma_semaphore, #tpu.memory_space<semaphore_mem>>)
      %dma_wait3A_49 = arith.constant 0 : i32
      %dma_wait3A_50 = tpu.memref_slice %arg2[%dma_wait3A_49, %mul3A_2] : memref<50x4096xi32, #tpu.memory_space<hbm>> -> memref<50x128xi32, #tpu.memory_space<hbm>>
      %dma_wait3A_51 = arith.constant 0 : i32
      %dma_wait3A_52 = tpu.memref_slice %arg2[%dma_wait3A_51, %mul3A_2] : memref<50x4096xi32, #tpu.memory_space<hbm>> -> memref<50x128xi32, #tpu.memory_space<hbm>>
      tpu.wait_dma2 semaphore(%run_scoped3A : memref<!tpu.dma_semaphore, #tpu.memory_space<semaphore_mem>>) src(%dma_wait3A_52 : memref<50x128xi32, #tpu.memory_space<hbm>>) dst(%arg5 : memref<50x128xi32, #tpu.memory_space<vmem>>)
      tpu.yield
    }) : () -> ()
    %dma_start3A = arith.constant 0 : i32
    %dma_start3A_3 = arith.constant 0 : i32
    %dma_start3A_4 = tpu.memref_slice %arg5[%dma_start3A, %dma_start3A_3] : memref<50x128xi32, #tpu.memory_space<vmem>> -> memref<1x128xi32, #tpu.memory_space<vmem>>
    %dma_start3A_5 = tpu.memref_squeeze %dma_start3A_4 : memref<1x128xi32, #tpu.memory_space<vmem>> -> memref<128xi32, #tpu.memory_space<vmem>>
    %dma_start3A_6 = arith.constant 0 : i32
    %dma_start3A_7 = arith.constant 0 : i32
    %dma_start3A_8 = tpu.memref_slice %arg3[%dma_start3A_6, %dma_start3A_7] : memref<100000x128xf32, #tpu.memory_space<hbm>> -> memref<100000x128xf32, #tpu.memory_space<hbm>>
    tpu.enqueue_indirect_dma source(%dma_start3A_8 : memref<100000x128xf32, #tpu.memory_space<hbm>>) target(%arg6 : memref<128x128xf32, #tpu.memory_space<vmem>>) offsets(%dma_start3A_5 : memref<128xi32, #tpu.memory_space<vmem>>) semaphore(%arg11 : memref<!tpu.dma_semaphore, #tpu.memory_space<semaphore_mem>>)
    %dma_start3A_9 = arith.constant 1 : i32
    %dma_start3A_10 = arith.constant 0 : i32
    %dma_start3A_11 = tpu.memref_slice %arg5[%dma_start3A_9, %dma_start3A_10] : memref<50x128xi32, #tpu.memory_space<vmem>> -> memref<1x128xi32, #tpu.memory_space<vmem>>
    %dma_start3A_12 = tpu.memref_squeeze %dma_start3A_11 : memref<1x128xi32, #tpu.memory_space<vmem>> -> memref<128xi32, #tpu.memory_space<vmem>>
    %dma_start3A_13 = arith.constant 0 : i32
    %dma_start3A_14 = arith.constant 0 : i32
    %dma_start3A_15 = tpu.memref_slice %arg3[%dma_start3A_13, %dma_start3A_14] : memref<100000x128xf32, #tpu.memory_space<hbm>> -> memref<100000x128xf32, #tpu.memory_space<hbm>>
    tpu.enqueue_indirect_dma source(%dma_start3A_15 : memref<100000x128xf32, #tpu.memory_space<hbm>>) target(%arg7 : memref<128x128xf32, #tpu.memory_space<vmem>>) offsets(%dma_start3A_12 : memref<128xi32, #tpu.memory_space<vmem>>) semaphore(%arg12 : memref<!tpu.dma_semaphore, #tpu.memory_space<semaphore_mem>>)
    %dma_start3A_16 = arith.constant 2 : i32
    %dma_start3A_17 = arith.constant 0 : i32
    %dma_start3A_18 = tpu.memref_slice %arg5[%dma_start3A_16, %dma_start3A_17] : memref<50x128xi32, #tpu.memory_space<vmem>> -> memref<1x128xi32, #tpu.memory_space<vmem>>
    %dma_start3A_19 = tpu.memref_squeeze %dma_start3A_18 : memref<1x128xi32, #tpu.memory_space<vmem>> -> memref<128xi32, #tpu.memory_space<vmem>>
    %dma_start3A_20 = arith.constant 0 : i32
    %dma_start3A_21 = arith.constant 0 : i32
    %dma_start3A_22 = tpu.memref_slice %arg3[%dma_start3A_20, %dma_start3A_21] : memref<100000x128xf32, #tpu.memory_space<hbm>> -> memref<100000x128xf32, #tpu.memory_space<hbm>>
    tpu.enqueue_indirect_dma source(%dma_start3A_22 : memref<100000x128xf32, #tpu.memory_space<hbm>>) target(%arg8 : memref<128x128xf32, #tpu.memory_space<vmem>>) offsets(%dma_start3A_19 : memref<128xi32, #tpu.memory_space<vmem>>) semaphore(%arg13 : memref<!tpu.dma_semaphore, #tpu.memory_space<semaphore_mem>>)
    %scan3A = arith.constant 0 : i32
    %scan3A_23 = arith.constant 0 : i32
    %scan3A_24 = arith.constant 10 : i32
    %scan3A_25 = arith.addi %scan3A_23, %scan3A_24 : i32
    %scan3A_26 = arith.constant 1 : i32
    scf.for %scan3A_45 = %scan3A_23 to %scan3A_25 step %scan3A_26  : i32 {
      %mul3A_46 = arith.constant 5 : i32
      %mul3A_47 = arith.muli %scan3A_45, %mul3A_46 : i32
      %add3A_48 = arith.constant 0 : i32
      %add3A_49 = arith.addi %mul3A_47, %add3A_48 : i32
      %dma_wait3A_50 = arith.constant 0 : i32
      %dma_wait3A_51 = tpu.memref_slice %arg5[%add3A_49, %dma_wait3A_50] : memref<50x128xi32, #tpu.memory_space<vmem>> -> memref<1x128xi32, #tpu.memory_space<vmem>>
      %dma_wait3A_52 = tpu.memref_squeeze %dma_wait3A_51 : memref<1x128xi32, #tpu.memory_space<vmem>> -> memref<128xi32, #tpu.memory_space<vmem>>
      %dma_wait3A_53 = arith.constant 0 : i32
      %dma_wait3A_54 = arith.constant 0 : i32
      %dma_wait3A_55 = tpu.memref_slice %arg3[%dma_wait3A_53, %dma_wait3A_54] : memref<100000x128xf32, #tpu.memory_space<hbm>> -> memref<100000x128xf32, #tpu.memory_space<hbm>>
      tpu.wait_indirect_dma semaphore(%arg11 : memref<!tpu.dma_semaphore, #tpu.memory_space<semaphore_mem>>) src(%dma_wait3A_55 : memref<100000x128xf32, #tpu.memory_space<hbm>>) dst(%arg6 : memref<128x128xf32, #tpu.memory_space<vmem>>)
      %ge3A = arith.constant 2 : i32
      %ge3A_56 = arith.cmpi sge, %add3A_49, %ge3A : i32
      %convert_element_type3A = arith.extui %ge3A_56 : i1 to i32
      %cond3A = arith.constant 0 : i32
      %cond3A_57 = arith.cmpi ne, %convert_element_type3A, %cond3A : i32
      scf.if %cond3A_57 {
        %dma_wait3A_196 = arith.constant 0 : i32
        %dma_wait3A_197 = arith.constant 0 : i32
        %dma_wait3A_198 = arith.constant 0 : i32
        %dma_wait3A_199 = tpu.memref_slice %arg4[%dma_wait3A_196, %dma_wait3A_197, %dma_wait3A_198] : memref<50x4096x128xf32, #tpu.memory_space<hbm>> -> memref<1x128x128xf32, #tpu.memory_space<hbm>>
        %dma_wait3A_200 = tpu.memref_squeeze %dma_wait3A_199 : memref<1x128x128xf32, #tpu.memory_space<hbm>> -> memref<128x128xf32, #tpu.memory_space<hbm>>
        %dma_wait3A_201 = arith.constant 0 : i32
        %dma_wait3A_202 = arith.constant 0 : i32
        %dma_wait3A_203 = tpu.memref_slice %arg4[%dma_wait3A_196, %dma_wait3A_201, %dma_wait3A_202] : memref<50x4096x128xf32, #tpu.memory_space<hbm>> -> memref<1x128x128xf32, #tpu.memory_space<hbm>>
        %dma_wait3A_204 = tpu.memref_squeeze %dma_wait3A_203 : memref<1x128x128xf32, #tpu.memory_space<hbm>> -> memref<128x128xf32, #tpu.memory_space<hbm>>
        tpu.wait_dma2 semaphore(%arg19 : memref<!tpu.dma_semaphore, #tpu.memory_space<semaphore_mem>>) src(%arg9 : memref<128x128xf32, #tpu.memory_space<vmem>>) dst(%dma_wait3A_204 : memref<128x128xf32, #tpu.memory_space<hbm>>)
      } else {
      }
      %add3A_58 = arith.constant 3 : i32
      %add3A_59 = arith.addi %add3A_49, %add3A_58 : i32
      %lt3A = arith.constant 50 : i32
      %lt3A_60 = arith.cmpi slt, %add3A_59, %lt3A : i32
      %convert_element_type3A_61 = arith.extui %lt3A_60 : i1 to i32
      %cond3A_62 = arith.constant 0 : i32
      %cond3A_63 = arith.cmpi ne, %convert_element_type3A_61, %cond3A_62 : i32
      scf.if %cond3A_63 {
        %add3A_196 = arith.constant 3 : i32
        %add3A_197 = arith.addi %add3A_49, %add3A_196 : i32
        %dma_start3A_198 = arith.constant 0 : i32
        %dma_start3A_199 = tpu.memref_slice %arg5[%add3A_197, %dma_start3A_198] : memref<50x128xi32, #tpu.memory_space<vmem>> -> memref<1x128xi32, #tpu.memory_space<vmem>>
        %dma_start3A_200 = tpu.memref_squeeze %dma_start3A_199 : memref<1x128xi32, #tpu.memory_space<vmem>> -> memref<128xi32, #tpu.memory_space<vmem>>
        %dma_start3A_201 = arith.constant 0 : i32
        %dma_start3A_202 = arith.constant 0 : i32
        %dma_start3A_203 = tpu.memref_slice %arg3[%dma_start3A_201, %dma_start3A_202] : memref<100000x128xf32, #tpu.memory_space<hbm>> -> memref<100000x128xf32, #tpu.memory_space<hbm>>
        tpu.enqueue_indirect_dma source(%dma_start3A_203 : memref<100000x128xf32, #tpu.memory_space<hbm>>) target(%arg9 : memref<128x128xf32, #tpu.memory_space<vmem>>) offsets(%dma_start3A_200 : memref<128xi32, #tpu.memory_space<vmem>>) semaphore(%arg14 : memref<!tpu.dma_semaphore, #tpu.memory_space<semaphore_mem>>)
      } else {
      }
      %parallel_loop3A = arith.constant 0 : i32
      %parallel_loop3A_64 = arith.constant 128 : i32
      %parallel_loop3A_65 = arith.constant 1 : i32
      scf.for %parallel_loop3A_196 = %parallel_loop3A to %parallel_loop3A_64 step %parallel_loop3A_65  : i32 {
        %parallel_loop3A_197 = arith.index_cast %parallel_loop3A_196 : i32 to index
        %parallel_loop3A_198 = arith.constant 0 : index
        %parallel_loop3A_199 = tpu.vector_load %arg6[%parallel_loop3A_197, %parallel_loop3A_198] {strides = array<i32>} : memref<128x128xf32, #tpu.memory_space<vmem>>, vector<1x16xf32>,
        %parallel_loop3A_200 = vector.shape_cast %parallel_loop3A_199 : vector<1x16xf32> to vector<16xf32>
        %parallel_loop3A_201 = arith.constant 11.3137083 : f32
        %parallel_loop3A_202 = vector.broadcast %parallel_loop3A_201 : f32 to vector<16xf32>
        %parallel_loop3A_203 = arith.mulf %parallel_loop3A_200, %parallel_loop3A_202 : vector<16xf32>
        %parallel_loop3A_204 = arith.index_cast %parallel_loop3A_196 : i32 to index
        %parallel_loop3A_205 = arith.constant 0 : index
        %parallel_loop3A_206 = tpu.vector_load %arg6[%parallel_loop3A_204, %parallel_loop3A_205] {strides = array<i32>} : memref<128x128xf32, #tpu.memory_space<vmem>>, vector<1x16xf32>,
        %parallel_loop3A_207 = vector.shape_cast %parallel_loop3A_206 : vector<1x16xf32> to vector<16xf32>
        %parallel_loop3A_208 = vector.shape_cast %parallel_loop3A_203 : vector<16xf32> to vector<1x16xf32>
        tpu.vector_store %arg6[%parallel_loop3A_204, %parallel_loop3A_205], %parallel_loop3A_208 {strides = array<i32>} : memref<128x128xf32, #tpu.memory_space<vmem>>, vector<1x16xf32>,
        %parallel_loop3A_209 = arith.index_cast %parallel_loop3A_196 : i32 to index
        %parallel_loop3A_210 = arith.constant 16 : index
        %parallel_loop3A_211 = tpu.vector_load %arg6[%parallel_loop3A_209, %parallel_loop3A_210] {strides = array<i32>} : memref<128x128xf32, #tpu.memory_space<vmem>>, vector<1x16xf32>,
        %parallel_loop3A_212 = vector.shape_cast %parallel_loop3A_211 : vector<1x16xf32> to vector<16xf32>
        %parallel_loop3A_213 = arith.constant 11.3137083 : f32
        %parallel_loop3A_214 = vector.broadcast %parallel_loop3A_213 : f32 to vector<16xf32>
        %parallel_loop3A_215 = arith.mulf %parallel_loop3A_212, %parallel_loop3A_214 : vector<16xf32>
        %parallel_loop3A_216 = arith.index_cast %parallel_loop3A_196 : i32 to index
        %parallel_loop3A_217 = arith.constant 16 : index
        %parallel_loop3A_218 = tpu.vector_load %arg6[%parallel_loop3A_216, %parallel_loop3A_217] {strides = array<i32>} : memref<128x128xf32, #tpu.memory_space<vmem>>, vector<1x16xf32>,
        %parallel_loop3A_219 = vector.shape_cast %parallel_loop3A_218 : vector<1x16xf32> to vector<16xf32>
        %parallel_loop3A_220 = vector.shape_cast %parallel_loop3A_215 : vector<16xf32> to vector<1x16xf32>
        tpu.vector_store %arg6[%parallel_loop3A_216, %parallel_loop3A_217], %parallel_loop3A_220 {strides = array<i32>} : memref<128x128xf32, #tpu.memory_space<vmem>>, vector<1x16xf32>,
        %parallel_loop3A_221 = arith.index_cast %parallel_loop3A_196 : i32 to index
        %parallel_loop3A_222 = arith.constant 32 : index
        %parallel_loop3A_223 = tpu.vector_load %arg6[%parallel_loop3A_221, %parallel_loop3A_222] {strides = array<i32>} : memref<128x128xf32, #tpu.memory_space<vmem>>, vector<1x16xf32>,
        %parallel_loop3A_224 = vector.shape_cast %parallel_loop3A_223 : vector<1x16xf32> to vector<16xf32>
        %parallel_loop3A_225 = arith.constant 11.3137083 : f32
        %parallel_loop3A_226 = vector.broadcast %parallel_loop3A_225 : f32 to vector<16xf32>
        %parallel_loop3A_227 = arith.mulf %parallel_loop3A_224, %parallel_loop3A_226 : vector<16xf32>
        %parallel_loop3A_228 = arith.index_cast %parallel_loop3A_196 : i32 to index
        %parallel_loop3A_229 = arith.constant 32 : index
        %parallel_loop3A_230 = tpu.vector_load %arg6[%parallel_loop3A_228, %parallel_loop3A_229] {strides = array<i32>} : memref<128x128xf32, #tpu.memory_space<vmem>>, vector<1x16xf32>,
        %parallel_loop3A_231 = vector.shape_cast %parallel_loop3A_230 : vector<1x16xf32> to vector<16xf32>
        %parallel_loop3A_232 = vector.shape_cast %parallel_loop3A_227 : vector<16xf32> to vector<1x16xf32>
        tpu.vector_store %arg6[%parallel_loop3A_228, %parallel_loop3A_229], %parallel_loop3A_232 {strides = array<i32>} : memref<128x128xf32, #tpu.memory_space<vmem>>, vector<1x16xf32>,
        %parallel_loop3A_233 = arith.index_cast %parallel_loop3A_196 : i32 to index
        %parallel_loop3A_234 = arith.constant 48 : index
        %parallel_loop3A_235 = tpu.vector_load %arg6[%parallel_loop3A_233, %parallel_loop3A_234] {strides = array<i32>} : memref<128x128xf32, #tpu.memory_space<vmem>>, vector<1x16xf32>,
        %parallel_loop3A_236 = vector.shape_cast %parallel_loop3A_235 : vector<1x16xf32> to vector<16xf32>
        %parallel_loop3A_237 = arith.constant 11.3137083 : f32
        %parallel_loop3A_238 = vector.broadcast %parallel_loop3A_237 : f32 to vector<16xf32>
        %parallel_loop3A_239 = arith.mulf %parallel_loop3A_236, %parallel_loop3A_238 : vector<16xf32>
        %parallel_loop3A_240 = arith.index_cast %parallel_loop3A_196 : i32 to index
        %parallel_loop3A_241 = arith.constant 48 : index
        %parallel_loop3A_242 = tpu.vector_load %arg6[%parallel_loop3A_240, %parallel_loop3A_241] {strides = array<i32>} : memref<128x128xf32, #tpu.memory_space<vmem>>, vector<1x16xf32>,
        %parallel_loop3A_243 = vector.shape_cast %parallel_loop3A_242 : vector<1x16xf32> to vector<16xf32>
        %parallel_loop3A_244 = vector.shape_cast %parallel_loop3A_239 : vector<16xf32> to vector<1x16xf32>
        tpu.vector_store %arg6[%parallel_loop3A_240, %parallel_loop3A_241], %parallel_loop3A_244 {strides = array<i32>} : memref<128x128xf32, #tpu.memory_space<vmem>>, vector<1x16xf32>,
        %parallel_loop3A_245 = arith.index_cast %parallel_loop3A_196 : i32 to index
        %parallel_loop3A_246 = arith.constant 64 : index
        %parallel_loop3A_247 = tpu.vector_load %arg6[%parallel_loop3A_245, %parallel_loop3A_246] {strides = array<i32>} : memref<128x128xf32, #tpu.memory_space<vmem>>, vector<1x16xf32>,
        %parallel_loop3A_248 = vector.shape_cast %parallel_loop3A_247 : vector<1x16xf32> to vector<16xf32>
        %parallel_loop3A_249 = arith.constant 11.3137083 : f32
        %parallel_loop3A_250 = vector.broadcast %parallel_loop3A_249 : f32 to vector<16xf32>
        %parallel_loop3A_251 = arith.mulf %parallel_loop3A_248, %parallel_loop3A_250 : vector<16xf32>
        %parallel_loop3A_252 = arith.index_cast %parallel_loop3A_196 : i32 to index
        %parallel_loop3A_253 = arith.constant 64 : index
        %parallel_loop3A_254 = tpu.vector_load %arg6[%parallel_loop3A_252, %parallel_loop3A_253] {strides = array<i32>} : memref<128x128xf32, #tpu.memory_space<vmem>>, vector<1x16xf32>,
        %parallel_loop3A_255 = vector.shape_cast %parallel_loop3A_254 : vector<1x16xf32> to vector<16xf32>
        %parallel_loop3A_256 = vector.shape_cast %parallel_loop3A_251 : vector<16xf32> to vector<1x16xf32>
        tpu.vector_store %arg6[%parallel_loop3A_252, %parallel_loop3A_253], %parallel_loop3A_256 {strides = array<i32>} : memref<128x128xf32, #tpu.memory_space<vmem>>, vector<1x16xf32>,
        %parallel_loop3A_257 = arith.index_cast %parallel_loop3A_196 : i32 to index
        %parallel_loop3A_258 = arith.constant 80 : index
        %parallel_loop3A_259 = tpu.vector_load %arg6[%parallel_loop3A_257, %parallel_loop3A_258] {strides = array<i32>} : memref<128x128xf32, #tpu.memory_space<vmem>>, vector<1x16xf32>,
        %parallel_loop3A_260 = vector.shape_cast %parallel_loop3A_259 : vector<1x16xf32> to vector<16xf32>
        %parallel_loop3A_261 = arith.constant 11.3137083 : f32
        %parallel_loop3A_262 = vector.broadcast %parallel_loop3A_261 : f32 to vector<16xf32>
        %parallel_loop3A_263 = arith.mulf %parallel_loop3A_260, %parallel_loop3A_262 : vector<16xf32>
        %parallel_loop3A_264 = arith.index_cast %parallel_loop3A_196 : i32 to index
        %parallel_loop3A_265 = arith.constant 80 : index
        %parallel_loop3A_266 = tpu.vector_load %arg6[%parallel_loop3A_264, %parallel_loop3A_265] {strides = array<i32>} : memref<128x128xf32, #tpu.memory_space<vmem>>, vector<1x16xf32>,
        %parallel_loop3A_267 = vector.shape_cast %parallel_loop3A_266 : vector<1x16xf32> to vector<16xf32>
        %parallel_loop3A_268 = vector.shape_cast %parallel_loop3A_263 : vector<16xf32> to vector<1x16xf32>
        tpu.vector_store %arg6[%parallel_loop3A_264, %parallel_loop3A_265], %parallel_loop3A_268 {strides = array<i32>} : memref<128x128xf32, #tpu.memory_space<vmem>>, vector<1x16xf32>,
        %parallel_loop3A_269 = arith.index_cast %parallel_loop3A_196 : i32 to index
        %parallel_loop3A_270 = arith.constant 96 : index
        %parallel_loop3A_271 = tpu.vector_load %arg6[%parallel_loop3A_269, %parallel_loop3A_270] {strides = array<i32>} : memref<128x128xf32, #tpu.memory_space<vmem>>, vector<1x16xf32>,
        %parallel_loop3A_272 = vector.shape_cast %parallel_loop3A_271 : vector<1x16xf32> to vector<16xf32>
        %parallel_loop3A_273 = arith.constant 11.3137083 : f32
        %parallel_loop3A_274 = vector.broadcast %parallel_loop3A_273 : f32 to vector<16xf32>
        %parallel_loop3A_275 = arith.mulf %parallel_loop3A_272, %parallel_loop3A_274 : vector<16xf32>
        %parallel_loop3A_276 = arith.index_cast %parallel_loop3A_196 : i32 to index
        %parallel_loop3A_277 = arith.constant 96 : index
        %parallel_loop3A_278 = tpu.vector_load %arg6[%parallel_loop3A_276, %parallel_loop3A_277] {strides = array<i32>} : memref<128x128xf32, #tpu.memory_space<vmem>>, vector<1x16xf32>,
        %parallel_loop3A_279 = vector.shape_cast %parallel_loop3A_278 : vector<1x16xf32> to vector<16xf32>
        %parallel_loop3A_280 = vector.shape_cast %parallel_loop3A_275 : vector<16xf32> to vector<1x16xf32>
        tpu.vector_store %arg6[%parallel_loop3A_276, %parallel_loop3A_277], %parallel_loop3A_280 {strides = array<i32>} : memref<128x128xf32, #tpu.memory_space<vmem>>, vector<1x16xf32>,
        %parallel_loop3A_281 = arith.index_cast %parallel_loop3A_196 : i32 to index
        %parallel_loop3A_282 = arith.constant 112 : index
        %parallel_loop3A_283 = tpu.vector_load %arg6[%parallel_loop3A_281, %parallel_loop3A_282] {strides = array<i32>} : memref<128x128xf32, #tpu.memory_space<vmem>>, vector<1x16xf32>,
        %parallel_loop3A_284 = vector.shape_cast %parallel_loop3A_283 : vector<1x16xf32> to vector<16xf32>
        %parallel_loop3A_285 = arith.constant 11.3137083 : f32
        %parallel_loop3A_286 = vector.broadcast %parallel_loop3A_285 : f32 to vector<16xf32>
        %parallel_loop3A_287 = arith.mulf %parallel_loop3A_284, %parallel_loop3A_286 : vector<16xf32>
        %parallel_loop3A_288 = arith.index_cast %parallel_loop3A_196 : i32 to index
        %parallel_loop3A_289 = arith.constant 112 : index
        %parallel_loop3A_290 = tpu.vector_load %arg6[%parallel_loop3A_288, %parallel_loop3A_289] {strides = array<i32>} : memref<128x128xf32, #tpu.memory_space<vmem>>, vector<1x16xf32>,
        %parallel_loop3A_291 = vector.shape_cast %parallel_loop3A_290 : vector<1x16xf32> to vector<16xf32>
        %parallel_loop3A_292 = vector.shape_cast %parallel_loop3A_287 : vector<16xf32> to vector<1x16xf32>
        tpu.vector_store %arg6[%parallel_loop3A_288, %parallel_loop3A_289], %parallel_loop3A_292 {strides = array<i32>} : memref<128x128xf32, #tpu.memory_space<vmem>>, vector<1x16xf32>,
      } {sc.loop_unroll_factor = 4 : i64, sc.parallel_access}
      %dma_start3A_66 = arith.constant 0 : i32
      %dma_start3A_67 = tpu.memref_slice %arg4[%add3A_49, %mul3A_2, %dma_start3A_66] : memref<50x4096x128xf32, #tpu.memory_space<hbm>> -> memref<1x128x128xf32, #tpu.memory_space<hbm>>
      %dma_start3A_68 = tpu.memref_squeeze %dma_start3A_67 : memref<1x128x128xf32, #tpu.memory_space<hbm>> -> memref<128x128xf32, #tpu.memory_space<hbm>>
      %dma_start3A_69 = arith.constant 0 : i32
      %dma_start3A_70 = tpu.memref_slice %arg4[%add3A_49, %mul3A_2, %dma_start3A_69] : memref<50x4096x128xf32, #tpu.memory_space<hbm>> -> memref<1x128x128xf32, #tpu.memory_space<hbm>>
      %dma_start3A_71 = tpu.memref_squeeze %dma_start3A_70 : memref<1x128x128xf32, #tpu.memory_space<hbm>> -> memref<128x128xf32, #tpu.memory_space<hbm>>
      tpu.enqueue_dma source(%arg6 : memref<128x128xf32, #tpu.memory_space<vmem>>) target(%dma_start3A_71 : memref<128x128xf32, #tpu.memory_space<hbm>>) target_semaphore(%arg16 : memref<!tpu.dma_semaphore, #tpu.memory_space<semaphore_mem>>)
      %mul3A_72 = arith.constant 5 : i32
      %mul3A_73 = arith.muli %scan3A_45, %mul3A_72 : i32
      %add3A_74 = arith.constant 1 : i32
      %add3A_75 = arith.addi %mul3A_73, %add3A_74 : i32
      %dma_wait3A_76 = arith.constant 0 : i32
      %dma_wait3A_77 = tpu.memref_slice %arg5[%add3A_75, %dma_wait3A_76] : memref<50x128xi32, #tpu.memory_space<vmem>> -> memref<1x128xi32, #tpu.memory_space<vmem>>
      %dma_wait3A_78 = tpu.memref_squeeze %dma_wait3A_77 : memref<1x128xi32, #tpu.memory_space<vmem>> -> memref<128xi32, #tpu.memory_space<vmem>>
      %dma_wait3A_79 = arith.constant 0 : i32
      %dma_wait3A_80 = arith.constant 0 : i32
      %dma_wait3A_81 = tpu.memref_slice %arg3[%dma_wait3A_79, %dma_wait3A_80] : memref<100000x128xf32, #tpu.memory_space<hbm>> -> memref<100000x128xf32, #tpu.memory_space<hbm>>
      tpu.wait_indirect_dma semaphore(%arg12 : memref<!tpu.dma_semaphore, #tpu.memory_space<semaphore_mem>>) src(%dma_wait3A_81 : memref<100000x128xf32, #tpu.memory_space<hbm>>) dst(%arg7 : memref<128x128xf32, #tpu.memory_space<vmem>>)
      %ge3A_82 = arith.constant 2 : i32
      %ge3A_83 = arith.cmpi sge, %add3A_75, %ge3A_82 : i32
      %convert_element_type3A_84 = arith.extui %ge3A_83 : i1 to i32
      %cond3A_85 = arith.constant 0 : i32
      %cond3A_86 = arith.cmpi ne, %convert_element_type3A_84, %cond3A_85 : i32
      scf.if %cond3A_86 {
        %dma_wait3A_196 = arith.constant 0 : i32
        %dma_wait3A_197 = arith.constant 0 : i32
        %dma_wait3A_198 = arith.constant 0 : i32
        %dma_wait3A_199 = tpu.memref_slice %arg4[%dma_wait3A_196, %dma_wait3A_197, %dma_wait3A_198] : memref<50x4096x128xf32, #tpu.memory_space<hbm>> -> memref<1x128x128xf32, #tpu.memory_space<hbm>>
        %dma_wait3A_200 = tpu.memref_squeeze %dma_wait3A_199 : memref<1x128x128xf32, #tpu.memory_space<hbm>> -> memref<128x128xf32, #tpu.memory_space<hbm>>
        %dma_wait3A_201 = arith.constant 0 : i32
        %dma_wait3A_202 = arith.constant 0 : i32
        %dma_wait3A_203 = tpu.memref_slice %arg4[%dma_wait3A_196, %dma_wait3A_201, %dma_wait3A_202] : memref<50x4096x128xf32, #tpu.memory_space<hbm>> -> memref<1x128x128xf32, #tpu.memory_space<hbm>>
        %dma_wait3A_204 = tpu.memref_squeeze %dma_wait3A_203 : memref<1x128x128xf32, #tpu.memory_space<hbm>> -> memref<128x128xf32, #tpu.memory_space<hbm>>
        tpu.wait_dma2 semaphore(%arg20 : memref<!tpu.dma_semaphore, #tpu.memory_space<semaphore_mem>>) src(%arg10 : memref<128x128xf32, #tpu.memory_space<vmem>>) dst(%dma_wait3A_204 : memref<128x128xf32, #tpu.memory_space<hbm>>)
      } else {
      }
      %add3A_87 = arith.constant 3 : i32
      %add3A_88 = arith.addi %add3A_75, %add3A_87 : i32
      %lt3A_89 = arith.constant 50 : i32
      %lt3A_90 = arith.cmpi slt, %add3A_88, %lt3A_89 : i32
      %convert_element_type3A_91 = arith.extui %lt3A_90 : i1 to i32
      %cond3A_92 = arith.constant 0 : i32
      %cond3A_93 = arith.cmpi ne, %convert_element_type3A_91, %cond3A_92 : i32
      scf.if %cond3A_93 {
        %add3A_196 = arith.constant 3 : i32
        %add3A_197 = arith.addi %add3A_75, %add3A_196 : i32
        %dma_start3A_198 = arith.constant 0 : i32
        %dma_start3A_199 = tpu.memref_slice %arg5[%add3A_197, %dma_start3A_198] : memref<50x128xi32, #tpu.memory_space<vmem>> -> memref<1x128xi32, #tpu.memory_space<vmem>>
        %dma_start3A_200 = tpu.memref_squeeze %dma_start3A_199 : memref<1x128xi32, #tpu.memory_space<vmem>> -> memref<128xi32, #tpu.memory_space<vmem>>
        %dma_start3A_201 = arith.constant 0 : i32
        %dma_start3A_202 = arith.constant 0 : i32
        %dma_start3A_203 = tpu.memref_slice %arg3[%dma_start3A_201, %dma_start3A_202] : memref<100000x128xf32, #tpu.memory_space<hbm>> -> memref<100000x128xf32, #tpu.memory_space<hbm>>
        tpu.enqueue_indirect_dma source(%dma_start3A_203 : memref<100000x128xf32, #tpu.memory_space<hbm>>) target(%arg10 : memref<128x128xf32, #tpu.memory_space<vmem>>) offsets(%dma_start3A_200 : memref<128xi32, #tpu.memory_space<vmem>>) semaphore(%arg15 : memref<!tpu.dma_semaphore, #tpu.memory_space<semaphore_mem>>)
      } else {
      }
      %parallel_loop3A_94 = arith.constant 0 : i32
      %parallel_loop3A_95 = arith.constant 128 : i32
      %parallel_loop3A_96 = arith.constant 1 : i32
      scf.for %parallel_loop3A_196 = %parallel_loop3A_94 to %parallel_loop3A_95 step %parallel_loop3A_96  : i32 {
        %parallel_loop3A_197 = arith.index_cast %parallel_loop3A_196 : i32 to index
        %parallel_loop3A_198 = arith.constant 0 : index
        %parallel_loop3A_199 = tpu.vector_load %arg7[%parallel_loop3A_197, %parallel_loop3A_198] {strides = array<i32>} : memref<128x128xf32, #tpu.memory_space<vmem>>, vector<1x16xf32>,
        %parallel_loop3A_200 = vector.shape_cast %parallel_loop3A_199 : vector<1x16xf32> to vector<16xf32>
        %parallel_loop3A_201 = arith.constant 11.3137083 : f32
        %parallel_loop3A_202 = vector.broadcast %parallel_loop3A_201 : f32 to vector<16xf32>
        %parallel_loop3A_203 = arith.mulf %parallel_loop3A_200, %parallel_loop3A_202 : vector<16xf32>
        %parallel_loop3A_204 = arith.index_cast %parallel_loop3A_196 : i32 to index
        %parallel_loop3A_205 = arith.constant 0 : index
        %parallel_loop3A_206 = tpu.vector_load %arg7[%parallel_loop3A_204, %parallel_loop3A_205] {strides = array<i32>} : memref<128x128xf32, #tpu.memory_space<vmem>>, vector<1x16xf32>,
        %parallel_loop3A_207 = vector.shape_cast %parallel_loop3A_206 : vector<1x16xf32> to vector<16xf32>
        %parallel_loop3A_208 = vector.shape_cast %parallel_loop3A_203 : vector<16xf32> to vector<1x16xf32>
        tpu.vector_store %arg7[%parallel_loop3A_204, %parallel_loop3A_205], %parallel_loop3A_208 {strides = array<i32>} : memref<128x128xf32, #tpu.memory_space<vmem>>, vector<1x16xf32>,
        %parallel_loop3A_209 = arith.index_cast %parallel_loop3A_196 : i32 to index
        %parallel_loop3A_210 = arith.constant 16 : index
        %parallel_loop3A_211 = tpu.vector_load %arg7[%parallel_loop3A_209, %parallel_loop3A_210] {strides = array<i32>} : memref<128x128xf32, #tpu.memory_space<vmem>>, vector<1x16xf32>,
        %parallel_loop3A_212 = vector.shape_cast %parallel_loop3A_211 : vector<1x16xf32> to vector<16xf32>
        %parallel_loop3A_213 = arith.constant 11.3137083 : f32
        %parallel_loop3A_214 = vector.broadcast %parallel_loop3A_213 : f32 to vector<16xf32>
        %parallel_loop3A_215 = arith.mulf %parallel_loop3A_212, %parallel_loop3A_214 : vector<16xf32>
        %parallel_loop3A_216 = arith.index_cast %parallel_loop3A_196 : i32 to index
        %parallel_loop3A_217 = arith.constant 16 : index
        %parallel_loop3A_218 = tpu.vector_load %arg7[%parallel_loop3A_216, %parallel_loop3A_217] {strides = array<i32>} : memref<128x128xf32, #tpu.memory_space<vmem>>, vector<1x16xf32>,
        %parallel_loop3A_219 = vector.shape_cast %parallel_loop3A_218 : vector<1x16xf32> to vector<16xf32>
        %parallel_loop3A_220 = vector.shape_cast %parallel_loop3A_215 : vector<16xf32> to vector<1x16xf32>
        tpu.vector_store %arg7[%parallel_loop3A_216, %parallel_loop3A_217], %parallel_loop3A_220 {strides = array<i32>} : memref<128x128xf32, #tpu.memory_space<vmem>>, vector<1x16xf32>,
        %parallel_loop3A_221 = arith.index_cast %parallel_loop3A_196 : i32 to index
        %parallel_loop3A_222 = arith.constant 32 : index
        %parallel_loop3A_223 = tpu.vector_load %arg7[%parallel_loop3A_221, %parallel_loop3A_222] {strides = array<i32>} : memref<128x128xf32, #tpu.memory_space<vmem>>, vector<1x16xf32>,
        %parallel_loop3A_224 = vector.shape_cast %parallel_loop3A_223 : vector<1x16xf32> to vector<16xf32>
        %parallel_loop3A_225 = arith.constant 11.3137083 : f32
        %parallel_loop3A_226 = vector.broadcast %parallel_loop3A_225 : f32 to vector<16xf32>
        %parallel_loop3A_227 = arith.mulf %parallel_loop3A_224, %parallel_loop3A_226 : vector<16xf32>
        %parallel_loop3A_228 = arith.index_cast %parallel_loop3A_196 : i32 to index
        %parallel_loop3A_229 = arith.constant 32 : index
        %parallel_loop3A_230 = tpu.vector_load %arg7[%parallel_loop3A_228, %parallel_loop3A_229] {strides = array<i32>} : memref<128x128xf32, #tpu.memory_space<vmem>>, vector<1x16xf32>,
        %parallel_loop3A_231 = vector.shape_cast %parallel_loop3A_230 : vector<1x16xf32> to vector<16xf32>
        %parallel_loop3A_232 = vector.shape_cast %parallel_loop3A_227 : vector<16xf32> to vector<1x16xf32>
        tpu.vector_store %arg7[%parallel_loop3A_228, %parallel_loop3A_229], %parallel_loop3A_232 {strides = array<i32>} : memref<128x128xf32, #tpu.memory_space<vmem>>, vector<1x16xf32>,
        %parallel_loop3A_233 = arith.index_cast %parallel_loop3A_196 : i32 to index
        %parallel_loop3A_234 = arith.constant 48 : index
        %parallel_loop3A_235 = tpu.vector_load %arg7[%parallel_loop3A_233, %parallel_loop3A_234] {strides = array<i32>} : memref<128x128xf32, #tpu.memory_space<vmem>>, vector<1x16xf32>,
        %parallel_loop3A_236 = vector.shape_cast %parallel_loop3A_235 : vector<1x16xf32> to vector<16xf32>
        %parallel_loop3A_237 = arith.constant 11.3137083 : f32
        %parallel_loop3A_238 = vector.broadcast %parallel_loop3A_237 : f32 to vector<16xf32>
        %parallel_loop3A_239 = arith.mulf %parallel_loop3A_236, %parallel_loop3A_238 : vector<16xf32>
        %parallel_loop3A_240 = arith.index_cast %parallel_loop3A_196 : i32 to index
        %parallel_loop3A_241 = arith.constant 48 : index
        %parallel_loop3A_242 = tpu.vector_load %arg7[%parallel_loop3A_240, %parallel_loop3A_241] {strides = array<i32>} : memref<128x128xf32, #tpu.memory_space<vmem>>, vector<1x16xf32>,
        %parallel_loop3A_243 = vector.shape_cast %parallel_loop3A_242 : vector<1x16xf32> to vector<16xf32>
        %parallel_loop3A_244 = vector.shape_cast %parallel_loop3A_239 : vector<16xf32> to vector<1x16xf32>
        tpu.vector_store %arg7[%parallel_loop3A_240, %parallel_loop3A_241], %parallel_loop3A_244 {strides = array<i32>} : memref<128x128xf32, #tpu.memory_space<vmem>>, vector<1x16xf32>,
        %parallel_loop3A_245 = arith.index_cast %parallel_loop3A_196 : i32 to index
        %parallel_loop3A_246 = arith.constant 64 : index
        %parallel_loop3A_247 = tpu.vector_load %arg7[%parallel_loop3A_245, %parallel_loop3A_246] {strides = array<i32>} : memref<128x128xf32, #tpu.memory_space<vmem>>, vector<1x16xf32>,
        %parallel_loop3A_248 = vector.shape_cast %parallel_loop3A_247 : vector<1x16xf32> to vector<16xf32>
        %parallel_loop3A_249 = arith.constant 11.3137083 : f32
        %parallel_loop3A_250 = vector.broadcast %parallel_loop3A_249 : f32 to vector<16xf32>
        %parallel_loop3A_251 = arith.mulf %parallel_loop3A_248, %parallel_loop3A_250 : vector<16xf32>
        %parallel_loop3A_252 = arith.index_cast %parallel_loop3A_196 : i32 to index
        %parallel_loop3A_253 = arith.constant 64 : index
        %parallel_loop3A_254 = tpu.vector_load %arg7[%parallel_loop3A_252, %parallel_loop3A_253] {strides = array<i32>} : memref<128x128xf32, #tpu.memory_space<vmem>>, vector<1x16xf32>,
        %parallel_loop3A_255 = vector.shape_cast %parallel_loop3A_254 : vector<1x16xf32> to vector<16xf32>
        %parallel_loop3A_256 = vector.shape_cast %parallel_loop3A_251 : vector<16xf32> to vector<1x16xf32>
        tpu.vector_store %arg7[%parallel_loop3A_252, %parallel_loop3A_253], %parallel_loop3A_256 {strides = array<i32>} : memref<128x128xf32, #tpu.memory_space<vmem>>, vector<1x16xf32>,
        %parallel_loop3A_257 = arith.index_cast %parallel_loop3A_196 : i32 to index
        %parallel_loop3A_258 = arith.constant 80 : index
        %parallel_loop3A_259 = tpu.vector_load %arg7[%parallel_loop3A_257, %parallel_loop3A_258] {strides = array<i32>} : memref<128x128xf32, #tpu.memory_space<vmem>>, vector<1x16xf32>,
        %parallel_loop3A_260 = vector.shape_cast %parallel_loop3A_259 : vector<1x16xf32> to vector<16xf32>
        %parallel_loop3A_261 = arith.constant 11.3137083 : f32
        %parallel_loop3A_262 = vector.broadcast %parallel_loop3A_261 : f32 to vector<16xf32>
        %parallel_loop3A_263 = arith.mulf %parallel_loop3A_260, %parallel_loop3A_262 : vector<16xf32>
        %parallel_loop3A_264 = arith.index_cast %parallel_loop3A_196 : i32 to index
        %parallel_loop3A_265 = arith.constant 80 : index
        %parallel_loop3A_266 = tpu.vector_load %arg7[%parallel_loop3A_264, %parallel_loop3A_265] {strides = array<i32>} : memref<128x128xf32, #tpu.memory_space<vmem>>, vector<1x16xf32>,
        %parallel_loop3A_267 = vector.shape_cast %parallel_loop3A_266 : vector<1x16xf32> to vector<16xf32>
        %parallel_loop3A_268 = vector.shape_cast %parallel_loop3A_263 : vector<16xf32> to vector<1x16xf32>
        tpu.vector_store %arg7[%parallel_loop3A_264, %parallel_loop3A_265], %parallel_loop3A_268 {strides = array<i32>} : memref<128x128xf32, #tpu.memory_space<vmem>>, vector<1x16xf32>,
        %parallel_loop3A_269 = arith.index_cast %parallel_loop3A_196 : i32 to index
        %parallel_loop3A_270 = arith.constant 96 : index
        %parallel_loop3A_271 = tpu.vector_load %arg7[%parallel_loop3A_269, %parallel_loop3A_270] {strides = array<i32>} : memref<128x128xf32, #tpu.memory_space<vmem>>, vector<1x16xf32>,
        %parallel_loop3A_272 = vector.shape_cast %parallel_loop3A_271 : vector<1x16xf32> to vector<16xf32>
        %parallel_loop3A_273 = arith.constant 11.3137083 : f32
        %parallel_loop3A_274 = vector.broadcast %parallel_loop3A_273 : f32 to vector<16xf32>
        %parallel_loop3A_275 = arith.mulf %parallel_loop3A_272, %parallel_loop3A_274 : vector<16xf32>
        %parallel_loop3A_276 = arith.index_cast %parallel_loop3A_196 : i32 to index
        %parallel_loop3A_277 = arith.constant 96 : index
        %parallel_loop3A_278 = tpu.vector_load %arg7[%parallel_loop3A_276, %parallel_loop3A_277] {strides = array<i32>} : memref<128x128xf32, #tpu.memory_space<vmem>>, vector<1x16xf32>,
        %parallel_loop3A_279 = vector.shape_cast %parallel_loop3A_278 : vector<1x16xf32> to vector<16xf32>
        %parallel_loop3A_280 = vector.shape_cast %parallel_loop3A_275 : vector<16xf32> to vector<1x16xf32>
        tpu.vector_store %arg7[%parallel_loop3A_276, %parallel_loop3A_277], %parallel_loop3A_280 {strides = array<i32>} : memref<128x128xf32, #tpu.memory_space<vmem>>, vector<1x16xf32>,
        %parallel_loop3A_281 = arith.index_cast %parallel_loop3A_196 : i32 to index
        %parallel_loop3A_282 = arith.constant 112 : index
        %parallel_loop3A_283 = tpu.vector_load %arg7[%parallel_loop3A_281, %parallel_loop3A_282] {strides = array<i32>} : memref<128x128xf32, #tpu.memory_space<vmem>>, vector<1x16xf32>,
        %parallel_loop3A_284 = vector.shape_cast %parallel_loop3A_283 : vector<1x16xf32> to vector<16xf32>
        %parallel_loop3A_285 = arith.constant 11.3137083 : f32
        %parallel_loop3A_286 = vector.broadcast %parallel_loop3A_285 : f32 to vector<16xf32>
        %parallel_loop3A_287 = arith.mulf %parallel_loop3A_284, %parallel_loop3A_286 : vector<16xf32>
        %parallel_loop3A_288 = arith.index_cast %parallel_loop3A_196 : i32 to index
        %parallel_loop3A_289 = arith.constant 112 : index
        %parallel_loop3A_290 = tpu.vector_load %arg7[%parallel_loop3A_288, %parallel_loop3A_289] {strides = array<i32>} : memref<128x128xf32, #tpu.memory_space<vmem>>, vector<1x16xf32>,
        %parallel_loop3A_291 = vector.shape_cast %parallel_loop3A_290 : vector<1x16xf32> to vector<16xf32>
        %parallel_loop3A_292 = vector.shape_cast %parallel_loop3A_287 : vector<16xf32> to vector<1x16xf32>
        tpu.vector_store %arg7[%parallel_loop3A_288, %parallel_loop3A_289], %parallel_loop3A_292 {strides = array<i32>} : memref<128x128xf32, #tpu.memory_space<vmem>>, vector<1x16xf32>,
      } {sc.loop_unroll_factor = 4 : i64, sc.parallel_access}
      %dma_start3A_97 = arith.constant 0 : i32
      %dma_start3A_98 = tpu.memref_slice %arg4[%add3A_75, %mul3A_2, %dma_start3A_97] : memref<50x4096x128xf32, #tpu.memory_space<hbm>> -> memref<1x128x128xf32, #tpu.memory_space<hbm>>
      %dma_start3A_99 = tpu.memref_squeeze %dma_start3A_98 : memref<1x128x128xf32, #tpu.memory_space<hbm>> -> memref<128x128xf32, #tpu.memory_space<hbm>>
      %dma_start3A_100 = arith.constant 0 : i32
      %dma_start3A_101 = tpu.memref_slice %arg4[%add3A_75, %mul3A_2, %dma_start3A_100] : memref<50x4096x128xf32, #tpu.memory_space<hbm>> -> memref<1x128x128xf32, #tpu.memory_space<hbm>>
      %dma_start3A_102 = tpu.memref_squeeze %dma_start3A_101 : memref<1x128x128xf32, #tpu.memory_space<hbm>> -> memref<128x128xf32, #tpu.memory_space<hbm>>
      tpu.enqueue_dma source(%arg7 : memref<128x128xf32, #tpu.memory_space<vmem>>) target(%dma_start3A_102 : memref<128x128xf32, #tpu.memory_space<hbm>>) target_semaphore(%arg17 : memref<!tpu.dma_semaphore, #tpu.memory_space<semaphore_mem>>)
      %mul3A_103 = arith.constant 5 : i32
      %mul3A_104 = arith.muli %scan3A_45, %mul3A_103 : i32
      %add3A_105 = arith.constant 2 : i32
      %add3A_106 = arith.addi %mul3A_104, %add3A_105 : i32
      %dma_wait3A_107 = arith.constant 0 : i32
      %dma_wait3A_108 = tpu.memref_slice %arg5[%add3A_106, %dma_wait3A_107] : memref<50x128xi32, #tpu.memory_space<vmem>> -> memref<1x128xi32, #tpu.memory_space<vmem>>
      %dma_wait3A_109 = tpu.memref_squeeze %dma_wait3A_108 : memref<1x128xi32, #tpu.memory_space<vmem>> -> memref<128xi32, #tpu.memory_space<vmem>>
      %dma_wait3A_110 = arith.constant 0 : i32
      %dma_wait3A_111 = arith.constant 0 : i32
      %dma_wait3A_112 = tpu.memref_slice %arg3[%dma_wait3A_110, %dma_wait3A_111] : memref<100000x128xf32, #tpu.memory_space<hbm>> -> memref<100000x128xf32, #tpu.memory_space<hbm>>
      tpu.wait_indirect_dma semaphore(%arg13 : memref<!tpu.dma_semaphore, #tpu.memory_space<semaphore_mem>>) src(%dma_wait3A_112 : memref<100000x128xf32, #tpu.memory_space<hbm>>) dst(%arg8 : memref<128x128xf32, #tpu.memory_space<vmem>>)
      %ge3A_113 = arith.constant 2 : i32
      %ge3A_114 = arith.cmpi sge, %add3A_106, %ge3A_113 : i32
      %convert_element_type3A_115 = arith.extui %ge3A_114 : i1 to i32
      %cond3A_116 = arith.constant 0 : i32
      %cond3A_117 = arith.cmpi ne, %convert_element_type3A_115, %cond3A_116 : i32
      scf.if %cond3A_117 {
        %dma_wait3A_196 = arith.constant 0 : i32
        %dma_wait3A_197 = arith.constant 0 : i32
        %dma_wait3A_198 = arith.constant 0 : i32
        %dma_wait3A_199 = tpu.memref_slice %arg4[%dma_wait3A_196, %dma_wait3A_197, %dma_wait3A_198] : memref<50x4096x128xf32, #tpu.memory_space<hbm>> -> memref<1x128x128xf32, #tpu.memory_space<hbm>>
        %dma_wait3A_200 = tpu.memref_squeeze %dma_wait3A_199 : memref<1x128x128xf32, #tpu.memory_space<hbm>> -> memref<128x128xf32, #tpu.memory_space<hbm>>
        %dma_wait3A_201 = arith.constant 0 : i32
        %dma_wait3A_202 = arith.constant 0 : i32
        %dma_wait3A_203 = tpu.memref_slice %arg4[%dma_wait3A_196, %dma_wait3A_201, %dma_wait3A_202] : memref<50x4096x128xf32, #tpu.memory_space<hbm>> -> memref<1x128x128xf32, #tpu.memory_space<hbm>>
        %dma_wait3A_204 = tpu.memref_squeeze %dma_wait3A_203 : memref<1x128x128xf32, #tpu.memory_space<hbm>> -> memref<128x128xf32, #tpu.memory_space<hbm>>
        tpu.wait_dma2 semaphore(%arg16 : memref<!tpu.dma_semaphore, #tpu.memory_space<semaphore_mem>>) src(%arg6 : memref<128x128xf32, #tpu.memory_space<vmem>>) dst(%dma_wait3A_204 : memref<128x128xf32, #tpu.memory_space<hbm>>)
      } else {
      }
      %add3A_118 = arith.constant 3 : i32
      %add3A_119 = arith.addi %add3A_106, %add3A_118 : i32
      %lt3A_120 = arith.constant 50 : i32
      %lt3A_121 = arith.cmpi slt, %add3A_119, %lt3A_120 : i32
      %convert_element_type3A_122 = arith.extui %lt3A_121 : i1 to i32
      %cond3A_123 = arith.constant 0 : i32
      %cond3A_124 = arith.cmpi ne, %convert_element_type3A_122, %cond3A_123 : i32
      scf.if %cond3A_124 {
        %add3A_196 = arith.constant 3 : i32
        %add3A_197 = arith.addi %add3A_106, %add3A_196 : i32
        %dma_start3A_198 = arith.constant 0 : i32
        %dma_start3A_199 = tpu.memref_slice %arg5[%add3A_197, %dma_start3A_198] : memref<50x128xi32, #tpu.memory_space<vmem>> -> memref<1x128xi32, #tpu.memory_space<vmem>>
        %dma_start3A_200 = tpu.memref_squeeze %dma_start3A_199 : memref<1x128xi32, #tpu.memory_space<vmem>> -> memref<128xi32, #tpu.memory_space<vmem>>
        %dma_start3A_201 = arith.constant 0 : i32
        %dma_start3A_202 = arith.constant 0 : i32
        %dma_start3A_203 = tpu.memref_slice %arg3[%dma_start3A_201, %dma_start3A_202] : memref<100000x128xf32, #tpu.memory_space<hbm>> -> memref<100000x128xf32, #tpu.memory_space<hbm>>
        tpu.enqueue_indirect_dma source(%dma_start3A_203 : memref<100000x128xf32, #tpu.memory_space<hbm>>) target(%arg6 : memref<128x128xf32, #tpu.memory_space<vmem>>) offsets(%dma_start3A_200 : memref<128xi32, #tpu.memory_space<vmem>>) semaphore(%arg11 : memref<!tpu.dma_semaphore, #tpu.memory_space<semaphore_mem>>)
      } else {
      }
      %parallel_loop3A_125 = arith.constant 0 : i32
      %parallel_loop3A_126 = arith.constant 128 : i32
      %parallel_loop3A_127 = arith.constant 1 : i32
      scf.for %parallel_loop3A_196 = %parallel_loop3A_125 to %parallel_loop3A_126 step %parallel_loop3A_127  : i32 {
        %parallel_loop3A_197 = arith.index_cast %parallel_loop3A_196 : i32 to index
        %parallel_loop3A_198 = arith.constant 0 : index
        %parallel_loop3A_199 = tpu.vector_load %arg8[%parallel_loop3A_197, %parallel_loop3A_198] {strides = array<i32>} : memref<128x128xf32, #tpu.memory_space<vmem>>, vector<1x16xf32>,
        %parallel_loop3A_200 = vector.shape_cast %parallel_loop3A_199 : vector<1x16xf32> to vector<16xf32>
        %parallel_loop3A_201 = arith.constant 11.3137083 : f32
        %parallel_loop3A_202 = vector.broadcast %parallel_loop3A_201 : f32 to vector<16xf32>
        %parallel_loop3A_203 = arith.mulf %parallel_loop3A_200, %parallel_loop3A_202 : vector<16xf32>
        %parallel_loop3A_204 = arith.index_cast %parallel_loop3A_196 : i32 to index
        %parallel_loop3A_205 = arith.constant 0 : index
        %parallel_loop3A_206 = tpu.vector_load %arg8[%parallel_loop3A_204, %parallel_loop3A_205] {strides = array<i32>} : memref<128x128xf32, #tpu.memory_space<vmem>>, vector<1x16xf32>,
        %parallel_loop3A_207 = vector.shape_cast %parallel_loop3A_206 : vector<1x16xf32> to vector<16xf32>
        %parallel_loop3A_208 = vector.shape_cast %parallel_loop3A_203 : vector<16xf32> to vector<1x16xf32>
        tpu.vector_store %arg8[%parallel_loop3A_204, %parallel_loop3A_205], %parallel_loop3A_208 {strides = array<i32>} : memref<128x128xf32, #tpu.memory_space<vmem>>, vector<1x16xf32>,
        %parallel_loop3A_209 = arith.index_cast %parallel_loop3A_196 : i32 to index
        %parallel_loop3A_210 = arith.constant 16 : index
        %parallel_loop3A_211 = tpu.vector_load %arg8[%parallel_loop3A_209, %parallel_loop3A_210] {strides = array<i32>} : memref<128x128xf32, #tpu.memory_space<vmem>>, vector<1x16xf32>,
        %parallel_loop3A_212 = vector.shape_cast %parallel_loop3A_211 : vector<1x16xf32> to vector<16xf32>
        %parallel_loop3A_213 = arith.constant 11.3137083 : f32
        %parallel_loop3A_214 = vector.broadcast %parallel_loop3A_213 : f32 to vector<16xf32>
        %parallel_loop3A_215 = arith.mulf %parallel_loop3A_212, %parallel_loop3A_214 : vector<16xf32>
        %parallel_loop3A_216 = arith.index_cast %parallel_loop3A_196 : i32 to index
        %parallel_loop3A_217 = arith.constant 16 : index
        %parallel_loop3A_218 = tpu.vector_load %arg8[%parallel_loop3A_216, %parallel_loop3A_217] {strides = array<i32>} : memref<128x128xf32, #tpu.memory_space<vmem>>, vector<1x16xf32>,
        %parallel_loop3A_219 = vector.shape_cast %parallel_loop3A_218 : vector<1x16xf32> to vector<16xf32>
        %parallel_loop3A_220 = vector.shape_cast %parallel_loop3A_215 : vector<16xf32> to vector<1x16xf32>
        tpu.vector_store %arg8[%parallel_loop3A_216, %parallel_loop3A_217], %parallel_loop3A_220 {strides = array<i32>} : memref<128x128xf32, #tpu.memory_space<vmem>>, vector<1x16xf32>,
        %parallel_loop3A_221 = arith.index_cast %parallel_loop3A_196 : i32 to index
        %parallel_loop3A_222 = arith.constant 32 : index
        %parallel_loop3A_223 = tpu.vector_load %arg8[%parallel_loop3A_221, %parallel_loop3A_222] {strides = array<i32>} : memref<128x128xf32, #tpu.memory_space<vmem>>, vector<1x16xf32>,
        %parallel_loop3A_224 = vector.shape_cast %parallel_loop3A_223 : vector<1x16xf32> to vector<16xf32>
        %parallel_loop3A_225 = arith.constant 11.3137083 : f32
        %parallel_loop3A_226 = vector.broadcast %parallel_loop3A_225 : f32 to vector<16xf32>
        %parallel_loop3A_227 = arith.mulf %parallel_loop3A_224, %parallel_loop3A_226 : vector<16xf32>
        %parallel_loop3A_228 = arith.index_cast %parallel_loop3A_196 : i32 to index
        %parallel_loop3A_229 = arith.constant 32 : index
        %parallel_loop3A_230 = tpu.vector_load %arg8[%parallel_loop3A_228, %parallel_loop3A_229] {strides = array<i32>} : memref<128x128xf32, #tpu.memory_space<vmem>>, vector<1x16xf32>,
        %parallel_loop3A_231 = vector.shape_cast %parallel_loop3A_230 : vector<1x16xf32> to vector<16xf32>
        %parallel_loop3A_232 = vector.shape_cast %parallel_loop3A_227 : vector<16xf32> to vector<1x16xf32>
        tpu.vector_store %arg8[%parallel_loop3A_228, %parallel_loop3A_229], %parallel_loop3A_232 {strides = array<i32>} : memref<128x128xf32, #tpu.memory_space<vmem>>, vector<1x16xf32>,
        %parallel_loop3A_233 = arith.index_cast %parallel_loop3A_196 : i32 to index
        %parallel_loop3A_234 = arith.constant 48 : index
        %parallel_loop3A_235 = tpu.vector_load %arg8[%parallel_loop3A_233, %parallel_loop3A_234] {strides = array<i32>} : memref<128x128xf32, #tpu.memory_space<vmem>>, vector<1x16xf32>,
        %parallel_loop3A_236 = vector.shape_cast %parallel_loop3A_235 : vector<1x16xf32> to vector<16xf32>
        %parallel_loop3A_237 = arith.constant 11.3137083 : f32
        %parallel_loop3A_238 = vector.broadcast %parallel_loop3A_237 : f32 to vector<16xf32>
        %parallel_loop3A_239 = arith.mulf %parallel_loop3A_236, %parallel_loop3A_238 : vector<16xf32>
        %parallel_loop3A_240 = arith.index_cast %parallel_loop3A_196 : i32 to index
        %parallel_loop3A_241 = arith.constant 48 : index
        %parallel_loop3A_242 = tpu.vector_load %arg8[%parallel_loop3A_240, %parallel_loop3A_241] {strides = array<i32>} : memref<128x128xf32, #tpu.memory_space<vmem>>, vector<1x16xf32>,
        %parallel_loop3A_243 = vector.shape_cast %parallel_loop3A_242 : vector<1x16xf32> to vector<16xf32>
        %parallel_loop3A_244 = vector.shape_cast %parallel_loop3A_239 : vector<16xf32> to vector<1x16xf32>
        tpu.vector_store %arg8[%parallel_loop3A_240, %parallel_loop3A_241], %parallel_loop3A_244 {strides = array<i32>} : memref<128x128xf32, #tpu.memory_space<vmem>>, vector<1x16xf32>,
        %parallel_loop3A_245 = arith.index_cast %parallel_loop3A_196 : i32 to index
        %parallel_loop3A_246 = arith.constant 64 : index
        %parallel_loop3A_247 = tpu.vector_load %arg8[%parallel_loop3A_245, %parallel_loop3A_246] {strides = array<i32>} : memref<128x128xf32, #tpu.memory_space<vmem>>, vector<1x16xf32>,
        %parallel_loop3A_248 = vector.shape_cast %parallel_loop3A_247 : vector<1x16xf32> to vector<16xf32>
        %parallel_loop3A_249 = arith.constant 11.3137083 : f32
        %parallel_loop3A_250 = vector.broadcast %parallel_loop3A_249 : f32 to vector<16xf32>
        %parallel_loop3A_251 = arith.mulf %parallel_loop3A_248, %parallel_loop3A_250 : vector<16xf32>
        %parallel_loop3A_252 = arith.index_cast %parallel_loop3A_196 : i32 to index
        %parallel_loop3A_253 = arith.constant 64 : index
        %parallel_loop3A_254 = tpu.vector_load %arg8[%parallel_loop3A_252, %parallel_loop3A_253] {strides = array<i32>} : memref<128x128xf32, #tpu.memory_space<vmem>>, vector<1x16xf32>,
        %parallel_loop3A_255 = vector.shape_cast %parallel_loop3A_254 : vector<1x16xf32> to vector<16xf32>
        %parallel_loop3A_256 = vector.shape_cast %parallel_loop3A_251 : vector<16xf32> to vector<1x16xf32>
        tpu.vector_store %arg8[%parallel_loop3A_252, %parallel_loop3A_253], %parallel_loop3A_256 {strides = array<i32>} : memref<128x128xf32, #tpu.memory_space<vmem>>, vector<1x16xf32>,
        %parallel_loop3A_257 = arith.index_cast %parallel_loop3A_196 : i32 to index
        %parallel_loop3A_258 = arith.constant 80 : index
        %parallel_loop3A_259 = tpu.vector_load %arg8[%parallel_loop3A_257, %parallel_loop3A_258] {strides = array<i32>} : memref<128x128xf32, #tpu.memory_space<vmem>>, vector<1x16xf32>,
        %parallel_loop3A_260 = vector.shape_cast %parallel_loop3A_259 : vector<1x16xf32> to vector<16xf32>
        %parallel_loop3A_261 = arith.constant 11.3137083 : f32
        %parallel_loop3A_262 = vector.broadcast %parallel_loop3A_261 : f32 to vector<16xf32>
        %parallel_loop3A_263 = arith.mulf %parallel_loop3A_260, %parallel_loop3A_262 : vector<16xf32>
        %parallel_loop3A_264 = arith.index_cast %parallel_loop3A_196 : i32 to index
        %parallel_loop3A_265 = arith.constant 80 : index
        %parallel_loop3A_266 = tpu.vector_load %arg8[%parallel_loop3A_264, %parallel_loop3A_265] {strides = array<i32>} : memref<128x128xf32, #tpu.memory_space<vmem>>, vector<1x16xf32>,
        %parallel_loop3A_267 = vector.shape_cast %parallel_loop3A_266 : vector<1x16xf32> to vector<16xf32>
        %parallel_loop3A_268 = vector.shape_cast %parallel_loop3A_263 : vector<16xf32> to vector<1x16xf32>
        tpu.vector_store %arg8[%parallel_loop3A_264, %parallel_loop3A_265], %parallel_loop3A_268 {strides = array<i32>} : memref<128x128xf32, #tpu.memory_space<vmem>>, vector<1x16xf32>,
        %parallel_loop3A_269 = arith.index_cast %parallel_loop3A_196 : i32 to index
        %parallel_loop3A_270 = arith.constant 96 : index
        %parallel_loop3A_271 = tpu.vector_load %arg8[%parallel_loop3A_269, %parallel_loop3A_270] {strides = array<i32>} : memref<128x128xf32, #tpu.memory_space<vmem>>, vector<1x16xf32>,
        %parallel_loop3A_272 = vector.shape_cast %parallel_loop3A_271 : vector<1x16xf32> to vector<16xf32>
        %parallel_loop3A_273 = arith.constant 11.3137083 : f32
        %parallel_loop3A_274 = vector.broadcast %parallel_loop3A_273 : f32 to vector<16xf32>
        %parallel_loop3A_275 = arith.mulf %parallel_loop3A_272, %parallel_loop3A_274 : vector<16xf32>
        %parallel_loop3A_276 = arith.index_cast %parallel_loop3A_196 : i32 to index
        %parallel_loop3A_277 = arith.constant 96 : index
        %parallel_loop3A_278 = tpu.vector_load %arg8[%parallel_loop3A_276, %parallel_loop3A_277] {strides = array<i32>} : memref<128x128xf32, #tpu.memory_space<vmem>>, vector<1x16xf32>,
        %parallel_loop3A_279 = vector.shape_cast %parallel_loop3A_278 : vector<1x16xf32> to vector<16xf32>
        %parallel_loop3A_280 = vector.shape_cast %parallel_loop3A_275 : vector<16xf32> to vector<1x16xf32>
        tpu.vector_store %arg8[%parallel_loop3A_276, %parallel_loop3A_277], %parallel_loop3A_280 {strides = array<i32>} : memref<128x128xf32, #tpu.memory_space<vmem>>, vector<1x16xf32>,
        %parallel_loop3A_281 = arith.index_cast %parallel_loop3A_196 : i32 to index
        %parallel_loop3A_282 = arith.constant 112 : index
        %parallel_loop3A_283 = tpu.vector_load %arg8[%parallel_loop3A_281, %parallel_loop3A_282] {strides = array<i32>} : memref<128x128xf32, #tpu.memory_space<vmem>>, vector<1x16xf32>,
        %parallel_loop3A_284 = vector.shape_cast %parallel_loop3A_283 : vector<1x16xf32> to vector<16xf32>
        %parallel_loop3A_285 = arith.constant 11.3137083 : f32
        %parallel_loop3A_286 = vector.broadcast %parallel_loop3A_285 : f32 to vector<16xf32>
        %parallel_loop3A_287 = arith.mulf %parallel_loop3A_284, %parallel_loop3A_286 : vector<16xf32>
        %parallel_loop3A_288 = arith.index_cast %parallel_loop3A_196 : i32 to index
        %parallel_loop3A_289 = arith.constant 112 : index
        %parallel_loop3A_290 = tpu.vector_load %arg8[%parallel_loop3A_288, %parallel_loop3A_289] {strides = array<i32>} : memref<128x128xf32, #tpu.memory_space<vmem>>, vector<1x16xf32>,
        %parallel_loop3A_291 = vector.shape_cast %parallel_loop3A_290 : vector<1x16xf32> to vector<16xf32>
        %parallel_loop3A_292 = vector.shape_cast %parallel_loop3A_287 : vector<16xf32> to vector<1x16xf32>
        tpu.vector_store %arg8[%parallel_loop3A_288, %parallel_loop3A_289], %parallel_loop3A_292 {strides = array<i32>} : memref<128x128xf32, #tpu.memory_space<vmem>>, vector<1x16xf32>,
      } {sc.loop_unroll_factor = 4 : i64, sc.parallel_access}
      %dma_start3A_128 = arith.constant 0 : i32
      %dma_start3A_129 = tpu.memref_slice %arg4[%add3A_106, %mul3A_2, %dma_start3A_128] : memref<50x4096x128xf32, #tpu.memory_space<hbm>> -> memref<1x128x128xf32, #tpu.memory_space<hbm>>
      %dma_start3A_130 = tpu.memref_squeeze %dma_start3A_129 : memref<1x128x128xf32, #tpu.memory_space<hbm>> -> memref<128x128xf32, #tpu.memory_space<hbm>>
      %dma_start3A_131 = arith.constant 0 : i32
      %dma_start3A_132 = tpu.memref_slice %arg4[%add3A_106, %mul3A_2, %dma_start3A_131] : memref<50x4096x128xf32, #tpu.memory_space<hbm>> -> memref<1x128x128xf32, #tpu.memory_space<hbm>>
      %dma_start3A_133 = tpu.memref_squeeze %dma_start3A_132 : memref<1x128x128xf32, #tpu.memory_space<hbm>> -> memref<128x128xf32, #tpu.memory_space<hbm>>
      tpu.enqueue_dma source(%arg8 : memref<128x128xf32, #tpu.memory_space<vmem>>) target(%dma_start3A_133 : memref<128x128xf32, #tpu.memory_space<hbm>>) target_semaphore(%arg18 : memref<!tpu.dma_semaphore, #tpu.memory_space<semaphore_mem>>)
      %mul3A_134 = arith.constant 5 : i32
      %mul3A_135 = arith.muli %scan3A_45, %mul3A_134 : i32
      %add3A_136 = arith.constant 3 : i32
      %add3A_137 = arith.addi %mul3A_135, %add3A_136 : i32
      %dma_wait3A_138 = arith.constant 0 : i32
      %dma_wait3A_139 = tpu.memref_slice %arg5[%add3A_137, %dma_wait3A_138] : memref<50x128xi32, #tpu.memory_space<vmem>> -> memref<1x128xi32, #tpu.memory_space<vmem>>
      %dma_wait3A_140 = tpu.memref_squeeze %dma_wait3A_139 : memref<1x128xi32, #tpu.memory_space<vmem>> -> memref<128xi32, #tpu.memory_space<vmem>>
      %dma_wait3A_141 = arith.constant 0 : i32
      %dma_wait3A_142 = arith.constant 0 : i32
      %dma_wait3A_143 = tpu.memref_slice %arg3[%dma_wait3A_141, %dma_wait3A_142] : memref<100000x128xf32, #tpu.memory_space<hbm>> -> memref<100000x128xf32, #tpu.memory_space<hbm>>
      tpu.wait_indirect_dma semaphore(%arg14 : memref<!tpu.dma_semaphore, #tpu.memory_space<semaphore_mem>>) src(%dma_wait3A_143 : memref<100000x128xf32, #tpu.memory_space<hbm>>) dst(%arg9 : memref<128x128xf32, #tpu.memory_space<vmem>>)
      %ge3A_144 = arith.constant 2 : i32
      %ge3A_145 = arith.cmpi sge, %add3A_137, %ge3A_144 : i32
      %convert_element_type3A_146 = arith.extui %ge3A_145 : i1 to i32
      %cond3A_147 = arith.constant 0 : i32
      %cond3A_148 = arith.cmpi ne, %convert_element_type3A_146, %cond3A_147 : i32
      scf.if %cond3A_148 {
        %dma_wait3A_196 = arith.constant 0 : i32
        %dma_wait3A_197 = arith.constant 0 : i32
        %dma_wait3A_198 = arith.constant 0 : i32
        %dma_wait3A_199 = tpu.memref_slice %arg4[%dma_wait3A_196, %dma_wait3A_197, %dma_wait3A_198] : memref<50x4096x128xf32, #tpu.memory_space<hbm>> -> memref<1x128x128xf32, #tpu.memory_space<hbm>>
        %dma_wait3A_200 = tpu.memref_squeeze %dma_wait3A_199 : memref<1x128x128xf32, #tpu.memory_space<hbm>> -> memref<128x128xf32, #tpu.memory_space<hbm>>
        %dma_wait3A_201 = arith.constant 0 : i32
        %dma_wait3A_202 = arith.constant 0 : i32
        %dma_wait3A_203 = tpu.memref_slice %arg4[%dma_wait3A_196, %dma_wait3A_201, %dma_wait3A_202] : memref<50x4096x128xf32, #tpu.memory_space<hbm>> -> memref<1x128x128xf32, #tpu.memory_space<hbm>>
        %dma_wait3A_204 = tpu.memref_squeeze %dma_wait3A_203 : memref<1x128x128xf32, #tpu.memory_space<hbm>> -> memref<128x128xf32, #tpu.memory_space<hbm>>
        tpu.wait_dma2 semaphore(%arg17 : memref<!tpu.dma_semaphore, #tpu.memory_space<semaphore_mem>>) src(%arg7 : memref<128x128xf32, #tpu.memory_space<vmem>>) dst(%dma_wait3A_204 : memref<128x128xf32, #tpu.memory_space<hbm>>)
      } else {
      }
      %add3A_149 = arith.constant 3 : i32
      %add3A_150 = arith.addi %add3A_137, %add3A_149 : i32
      %lt3A_151 = arith.constant 50 : i32
      %lt3A_152 = arith.cmpi slt, %add3A_150, %lt3A_151 : i32
      %convert_element_type3A_153 = arith.extui %lt3A_152 : i1 to i32
      %cond3A_154 = arith.constant 0 : i32
      %cond3A_155 = arith.cmpi ne, %convert_element_type3A_153, %cond3A_154 : i32
      scf.if %cond3A_155 {
        %add3A_196 = arith.constant 3 : i32
        %add3A_197 = arith.addi %add3A_137, %add3A_196 : i32
        %dma_start3A_198 = arith.constant 0 : i32
        %dma_start3A_199 = tpu.memref_slice %arg5[%add3A_197, %dma_start3A_198] : memref<50x128xi32, #tpu.memory_space<vmem>> -> memref<1x128xi32, #tpu.memory_space<vmem>>
        %dma_start3A_200 = tpu.memref_squeeze %dma_start3A_199 : memref<1x128xi32, #tpu.memory_space<vmem>> -> memref<128xi32, #tpu.memory_space<vmem>>
        %dma_start3A_201 = arith.constant 0 : i32
        %dma_start3A_202 = arith.constant 0 : i32
        %dma_start3A_203 = tpu.memref_slice %arg3[%dma_start3A_201, %dma_start3A_202] : memref<100000x128xf32, #tpu.memory_space<hbm>> -> memref<100000x128xf32, #tpu.memory_space<hbm>>
        tpu.enqueue_indirect_dma source(%dma_start3A_203 : memref<100000x128xf32, #tpu.memory_space<hbm>>) target(%arg7 : memref<128x128xf32, #tpu.memory_space<vmem>>) offsets(%dma_start3A_200 : memref<128xi32, #tpu.memory_space<vmem>>) semaphore(%arg12 : memref<!tpu.dma_semaphore, #tpu.memory_space<semaphore_mem>>)
      } else {
      }
      %parallel_loop3A_156 = arith.constant 0 : i32
      %parallel_loop3A_157 = arith.constant 128 : i32
      %parallel_loop3A_158 = arith.constant 1 : i32
      scf.for %parallel_loop3A_196 = %parallel_loop3A_156 to %parallel_loop3A_157 step %parallel_loop3A_158  : i32 {
        %parallel_loop3A_197 = arith.index_cast %parallel_loop3A_196 : i32 to index
        %parallel_loop3A_198 = arith.constant 0 : index
        %parallel_loop3A_199 = tpu.vector_load %arg9[%parallel_loop3A_197, %parallel_loop3A_198] {strides = array<i32>} : memref<128x128xf32, #tpu.memory_space<vmem>>, vector<1x16xf32>,
        %parallel_loop3A_200 = vector.shape_cast %parallel_loop3A_199 : vector<1x16xf32> to vector<16xf32>
        %parallel_loop3A_201 = arith.constant 11.3137083 : f32
        %parallel_loop3A_202 = vector.broadcast %parallel_loop3A_201 : f32 to vector<16xf32>
        %parallel_loop3A_203 = arith.mulf %parallel_loop3A_200, %parallel_loop3A_202 : vector<16xf32>
        %parallel_loop3A_204 = arith.index_cast %parallel_loop3A_196 : i32 to index
        %parallel_loop3A_205 = arith.constant 0 : index
        %parallel_loop3A_206 = tpu.vector_load %arg9[%parallel_loop3A_204, %parallel_loop3A_205] {strides = array<i32>} : memref<128x128xf32, #tpu.memory_space<vmem>>, vector<1x16xf32>,
        %parallel_loop3A_207 = vector.shape_cast %parallel_loop3A_206 : vector<1x16xf32> to vector<16xf32>
        %parallel_loop3A_208 = vector.shape_cast %parallel_loop3A_203 : vector<16xf32> to vector<1x16xf32>
        tpu.vector_store %arg9[%parallel_loop3A_204, %parallel_loop3A_205], %parallel_loop3A_208 {strides = array<i32>} : memref<128x128xf32, #tpu.memory_space<vmem>>, vector<1x16xf32>,
        %parallel_loop3A_209 = arith.index_cast %parallel_loop3A_196 : i32 to index
        %parallel_loop3A_210 = arith.constant 16 : index
        %parallel_loop3A_211 = tpu.vector_load %arg9[%parallel_loop3A_209, %parallel_loop3A_210] {strides = array<i32>} : memref<128x128xf32, #tpu.memory_space<vmem>>, vector<1x16xf32>,
        %parallel_loop3A_212 = vector.shape_cast %parallel_loop3A_211 : vector<1x16xf32> to vector<16xf32>
        %parallel_loop3A_213 = arith.constant 11.3137083 : f32
        %parallel_loop3A_214 = vector.broadcast %parallel_loop3A_213 : f32 to vector<16xf32>
        %parallel_loop3A_215 = arith.mulf %parallel_loop3A_212, %parallel_loop3A_214 : vector<16xf32>
        %parallel_loop3A_216 = arith.index_cast %parallel_loop3A_196 : i32 to index
        %parallel_loop3A_217 = arith.constant 16 : index
        %parallel_loop3A_218 = tpu.vector_load %arg9[%parallel_loop3A_216, %parallel_loop3A_217] {strides = array<i32>} : memref<128x128xf32, #tpu.memory_space<vmem>>, vector<1x16xf32>,
        %parallel_loop3A_219 = vector.shape_cast %parallel_loop3A_218 : vector<1x16xf32> to vector<16xf32>
        %parallel_loop3A_220 = vector.shape_cast %parallel_loop3A_215 : vector<16xf32> to vector<1x16xf32>
        tpu.vector_store %arg9[%parallel_loop3A_216, %parallel_loop3A_217], %parallel_loop3A_220 {strides = array<i32>} : memref<128x128xf32, #tpu.memory_space<vmem>>, vector<1x16xf32>,
        %parallel_loop3A_221 = arith.index_cast %parallel_loop3A_196 : i32 to index
        %parallel_loop3A_222 = arith.constant 32 : index
        %parallel_loop3A_223 = tpu.vector_load %arg9[%parallel_loop3A_221, %parallel_loop3A_222] {strides = array<i32>} : memref<128x128xf32, #tpu.memory_space<vmem>>, vector<1x16xf32>,
        %parallel_loop3A_224 = vector.shape_cast %parallel_loop3A_223 : vector<1x16xf32> to vector<16xf32>
        %parallel_loop3A_225 = arith.constant 11.3137083 : f32
        %parallel_loop3A_226 = vector.broadcast %parallel_loop3A_225 : f32 to vector<16xf32>
        %parallel_loop3A_227 = arith.mulf %parallel_loop3A_224, %parallel_loop3A_226 : vector<16xf32>
        %parallel_loop3A_228 = arith.index_cast %parallel_loop3A_196 : i32 to index
        %parallel_loop3A_229 = arith.constant 32 : index
        %parallel_loop3A_230 = tpu.vector_load %arg9[%parallel_loop3A_228, %parallel_loop3A_229] {strides = array<i32>} : memref<128x128xf32, #tpu.memory_space<vmem>>, vector<1x16xf32>,
        %parallel_loop3A_231 = vector.shape_cast %parallel_loop3A_230 : vector<1x16xf32> to vector<16xf32>
        %parallel_loop3A_232 = vector.shape_cast %parallel_loop3A_227 : vector<16xf32> to vector<1x16xf32>
        tpu.vector_store %arg9[%parallel_loop3A_228, %parallel_loop3A_229], %parallel_loop3A_232 {strides = array<i32>} : memref<128x128xf32, #tpu.memory_space<vmem>>, vector<1x16xf32>,
        %parallel_loop3A_233 = arith.index_cast %parallel_loop3A_196 : i32 to index
        %parallel_loop3A_234 = arith.constant 48 : index
        %parallel_loop3A_235 = tpu.vector_load %arg9[%parallel_loop3A_233, %parallel_loop3A_234] {strides = array<i32>} : memref<128x128xf32, #tpu.memory_space<vmem>>, vector<1x16xf32>,
        %parallel_loop3A_236 = vector.shape_cast %parallel_loop3A_235 : vector<1x16xf32> to vector<16xf32>
        %parallel_loop3A_237 = arith.constant 11.3137083 : f32
        %parallel_loop3A_238 = vector.broadcast %parallel_loop3A_237 : f32 to vector<16xf32>
        %parallel_loop3A_239 = arith.mulf %parallel_loop3A_236, %parallel_loop3A_238 : vector<16xf32>
        %parallel_loop3A_240 = arith.index_cast %parallel_loop3A_196 : i32 to index
        %parallel_loop3A_241 = arith.constant 48 : index
        %parallel_loop3A_242 = tpu.vector_load %arg9[%parallel_loop3A_240, %parallel_loop3A_241] {strides = array<i32>} : memref<128x128xf32, #tpu.memory_space<vmem>>, vector<1x16xf32>,
        %parallel_loop3A_243 = vector.shape_cast %parallel_loop3A_242 : vector<1x16xf32> to vector<16xf32>
        %parallel_loop3A_244 = vector.shape_cast %parallel_loop3A_239 : vector<16xf32> to vector<1x16xf32>
        tpu.vector_store %arg9[%parallel_loop3A_240, %parallel_loop3A_241], %parallel_loop3A_244 {strides = array<i32>} : memref<128x128xf32, #tpu.memory_space<vmem>>, vector<1x16xf32>,
        %parallel_loop3A_245 = arith.index_cast %parallel_loop3A_196 : i32 to index
        %parallel_loop3A_246 = arith.constant 64 : index
        %parallel_loop3A_247 = tpu.vector_load %arg9[%parallel_loop3A_245, %parallel_loop3A_246] {strides = array<i32>} : memref<128x128xf32, #tpu.memory_space<vmem>>, vector<1x16xf32>,
        %parallel_loop3A_248 = vector.shape_cast %parallel_loop3A_247 : vector<1x16xf32> to vector<16xf32>
        %parallel_loop3A_249 = arith.constant 11.3137083 : f32
        %parallel_loop3A_250 = vector.broadcast %parallel_loop3A_249 : f32 to vector<16xf32>
        %parallel_loop3A_251 = arith.mulf %parallel_loop3A_248, %parallel_loop3A_250 : vector<16xf32>
        %parallel_loop3A_252 = arith.index_cast %parallel_loop3A_196 : i32 to index
        %parallel_loop3A_253 = arith.constant 64 : index
        %parallel_loop3A_254 = tpu.vector_load %arg9[%parallel_loop3A_252, %parallel_loop3A_253] {strides = array<i32>} : memref<128x128xf32, #tpu.memory_space<vmem>>, vector<1x16xf32>,
        %parallel_loop3A_255 = vector.shape_cast %parallel_loop3A_254 : vector<1x16xf32> to vector<16xf32>
        %parallel_loop3A_256 = vector.shape_cast %parallel_loop3A_251 : vector<16xf32> to vector<1x16xf32>
        tpu.vector_store %arg9[%parallel_loop3A_252, %parallel_loop3A_253], %parallel_loop3A_256 {strides = array<i32>} : memref<128x128xf32, #tpu.memory_space<vmem>>, vector<1x16xf32>,
        %parallel_loop3A_257 = arith.index_cast %parallel_loop3A_196 : i32 to index
        %parallel_loop3A_258 = arith.constant 80 : index
        %parallel_loop3A_259 = tpu.vector_load %arg9[%parallel_loop3A_257, %parallel_loop3A_258] {strides = array<i32>} : memref<128x128xf32, #tpu.memory_space<vmem>>, vector<1x16xf32>,
        %parallel_loop3A_260 = vector.shape_cast %parallel_loop3A_259 : vector<1x16xf32> to vector<16xf32>
        %parallel_loop3A_261 = arith.constant 11.3137083 : f32
        %parallel_loop3A_262 = vector.broadcast %parallel_loop3A_261 : f32 to vector<16xf32>
        %parallel_loop3A_263 = arith.mulf %parallel_loop3A_260, %parallel_loop3A_262 : vector<16xf32>
        %parallel_loop3A_264 = arith.index_cast %parallel_loop3A_196 : i32 to index
        %parallel_loop3A_265 = arith.constant 80 : index
        %parallel_loop3A_266 = tpu.vector_load %arg9[%parallel_loop3A_264, %parallel_loop3A_265] {strides = array<i32>} : memref<128x128xf32, #tpu.memory_space<vmem>>, vector<1x16xf32>,
        %parallel_loop3A_267 = vector.shape_cast %parallel_loop3A_266 : vector<1x16xf32> to vector<16xf32>
        %parallel_loop3A_268 = vector.shape_cast %parallel_loop3A_263 : vector<16xf32> to vector<1x16xf32>
        tpu.vector_store %arg9[%parallel_loop3A_264, %parallel_loop3A_265], %parallel_loop3A_268 {strides = array<i32>} : memref<128x128xf32, #tpu.memory_space<vmem>>, vector<1x16xf32>,
        %parallel_loop3A_269 = arith.index_cast %parallel_loop3A_196 : i32 to index
        %parallel_loop3A_270 = arith.constant 96 : index
        %parallel_loop3A_271 = tpu.vector_load %arg9[%parallel_loop3A_269, %parallel_loop3A_270] {strides = array<i32>} : memref<128x128xf32, #tpu.memory_space<vmem>>, vector<1x16xf32>,
        %parallel_loop3A_272 = vector.shape_cast %parallel_loop3A_271 : vector<1x16xf32> to vector<16xf32>
        %parallel_loop3A_273 = arith.constant 11.3137083 : f32
        %parallel_loop3A_274 = vector.broadcast %parallel_loop3A_273 : f32 to vector<16xf32>
        %parallel_loop3A_275 = arith.mulf %parallel_loop3A_272, %parallel_loop3A_274 : vector<16xf32>
        %parallel_loop3A_276 = arith.index_cast %parallel_loop3A_196 : i32 to index
        %parallel_loop3A_277 = arith.constant 96 : index
        %parallel_loop3A_278 = tpu.vector_load %arg9[%parallel_loop3A_276, %parallel_loop3A_277] {strides = array<i32>} : memref<128x128xf32, #tpu.memory_space<vmem>>, vector<1x16xf32>,
        %parallel_loop3A_279 = vector.shape_cast %parallel_loop3A_278 : vector<1x16xf32> to vector<16xf32>
        %parallel_loop3A_280 = vector.shape_cast %parallel_loop3A_275 : vector<16xf32> to vector<1x16xf32>
        tpu.vector_store %arg9[%parallel_loop3A_276, %parallel_loop3A_277], %parallel_loop3A_280 {strides = array<i32>} : memref<128x128xf32, #tpu.memory_space<vmem>>, vector<1x16xf32>,
        %parallel_loop3A_281 = arith.index_cast %parallel_loop3A_196 : i32 to index
        %parallel_loop3A_282 = arith.constant 112 : index
        %parallel_loop3A_283 = tpu.vector_load %arg9[%parallel_loop3A_281, %parallel_loop3A_282] {strides = array<i32>} : memref<128x128xf32, #tpu.memory_space<vmem>>, vector<1x16xf32>,
        %parallel_loop3A_284 = vector.shape_cast %parallel_loop3A_283 : vector<1x16xf32> to vector<16xf32>
        %parallel_loop3A_285 = arith.constant 11.3137083 : f32
        %parallel_loop3A_286 = vector.broadcast %parallel_loop3A_285 : f32 to vector<16xf32>
        %parallel_loop3A_287 = arith.mulf %parallel_loop3A_284, %parallel_loop3A_286 : vector<16xf32>
        %parallel_loop3A_288 = arith.index_cast %parallel_loop3A_196 : i32 to index
        %parallel_loop3A_289 = arith.constant 112 : index
        %parallel_loop3A_290 = tpu.vector_load %arg9[%parallel_loop3A_288, %parallel_loop3A_289] {strides = array<i32>} : memref<128x128xf32, #tpu.memory_space<vmem>>, vector<1x16xf32>,
        %parallel_loop3A_291 = vector.shape_cast %parallel_loop3A_290 : vector<1x16xf32> to vector<16xf32>
        %parallel_loop3A_292 = vector.shape_cast %parallel_loop3A_287 : vector<16xf32> to vector<1x16xf32>
        tpu.vector_store %arg9[%parallel_loop3A_288, %parallel_loop3A_289], %parallel_loop3A_292 {strides = array<i32>} : memref<128x128xf32, #tpu.memory_space<vmem>>, vector<1x16xf32>,
      } {sc.loop_unroll_factor = 4 : i64, sc.parallel_access}
      %dma_start3A_159 = arith.constant 0 : i32
      %dma_start3A_160 = tpu.memref_slice %arg4[%add3A_137, %mul3A_2, %dma_start3A_159] : memref<50x4096x128xf32, #tpu.memory_space<hbm>> -> memref<1x128x128xf32, #tpu.memory_space<hbm>>
      %dma_start3A_161 = tpu.memref_squeeze %dma_start3A_160 : memref<1x128x128xf32, #tpu.memory_space<hbm>> -> memref<128x128xf32, #tpu.memory_space<hbm>>
      %dma_start3A_162 = arith.constant 0 : i32
      %dma_start3A_163 = tpu.memref_slice %arg4[%add3A_137, %mul3A_2, %dma_start3A_162] : memref<50x4096x128xf32, #tpu.memory_space<hbm>> -> memref<1x128x128xf32, #tpu.memory_space<hbm>>
      %dma_start3A_164 = tpu.memref_squeeze %dma_start3A_163 : memref<1x128x128xf32, #tpu.memory_space<hbm>> -> memref<128x128xf32, #tpu.memory_space<hbm>>
      tpu.enqueue_dma source(%arg9 : memref<128x128xf32, #tpu.memory_space<vmem>>) target(%dma_start3A_164 : memref<128x128xf32, #tpu.memory_space<hbm>>) target_semaphore(%arg19 : memref<!tpu.dma_semaphore, #tpu.memory_space<semaphore_mem>>)
      %mul3A_165 = arith.constant 5 : i32
      %mul3A_166 = arith.muli %scan3A_45, %mul3A_165 : i32
      %add3A_167 = arith.constant 4 : i32
      %add3A_168 = arith.addi %mul3A_166, %add3A_167 : i32
      %dma_wait3A_169 = arith.constant 0 : i32
      %dma_wait3A_170 = tpu.memref_slice %arg5[%add3A_168, %dma_wait3A_169] : memref<50x128xi32, #tpu.memory_space<vmem>> -> memref<1x128xi32, #tpu.memory_space<vmem>>
      %dma_wait3A_171 = tpu.memref_squeeze %dma_wait3A_170 : memref<1x128xi32, #tpu.memory_space<vmem>> -> memref<128xi32, #tpu.memory_space<vmem>>
      %dma_wait3A_172 = arith.constant 0 : i32
      %dma_wait3A_173 = arith.constant 0 : i32
      %dma_wait3A_174 = tpu.memref_slice %arg3[%dma_wait3A_172, %dma_wait3A_173] : memref<100000x128xf32, #tpu.memory_space<hbm>> -> memref<100000x128xf32, #tpu.memory_space<hbm>>
      tpu.wait_indirect_dma semaphore(%arg15 : memref<!tpu.dma_semaphore, #tpu.memory_space<semaphore_mem>>) src(%dma_wait3A_174 : memref<100000x128xf32, #tpu.memory_space<hbm>>) dst(%arg10 : memref<128x128xf32, #tpu.memory_space<vmem>>)
      %ge3A_175 = arith.constant 2 : i32
      %ge3A_176 = arith.cmpi sge, %add3A_168, %ge3A_175 : i32
      %convert_element_type3A_177 = arith.extui %ge3A_176 : i1 to i32
      %cond3A_178 = arith.constant 0 : i32
      %cond3A_179 = arith.cmpi ne, %convert_element_type3A_177, %cond3A_178 : i32
      scf.if %cond3A_179 {
        %dma_wait3A_196 = arith.constant 0 : i32
        %dma_wait3A_197 = arith.constant 0 : i32
        %dma_wait3A_198 = arith.constant 0 : i32
        %dma_wait3A_199 = tpu.memref_slice %arg4[%dma_wait3A_196, %dma_wait3A_197, %dma_wait3A_198] : memref<50x4096x128xf32, #tpu.memory_space<hbm>> -> memref<1x128x128xf32, #tpu.memory_space<hbm>>
        %dma_wait3A_200 = tpu.memref_squeeze %dma_wait3A_199 : memref<1x128x128xf32, #tpu.memory_space<hbm>> -> memref<128x128xf32, #tpu.memory_space<hbm>>
        %dma_wait3A_201 = arith.constant 0 : i32
        %dma_wait3A_202 = arith.constant 0 : i32
        %dma_wait3A_203 = tpu.memref_slice %arg4[%dma_wait3A_196, %dma_wait3A_201, %dma_wait3A_202] : memref<50x4096x128xf32, #tpu.memory_space<hbm>> -> memref<1x128x128xf32, #tpu.memory_space<hbm>>
        %dma_wait3A_204 = tpu.memref_squeeze %dma_wait3A_203 : memref<1x128x128xf32, #tpu.memory_space<hbm>> -> memref<128x128xf32, #tpu.memory_space<hbm>>
        tpu.wait_dma2 semaphore(%arg18 : memref<!tpu.dma_semaphore, #tpu.memory_space<semaphore_mem>>) src(%arg8 : memref<128x128xf32, #tpu.memory_space<vmem>>) dst(%dma_wait3A_204 : memref<128x128xf32, #tpu.memory_space<hbm>>)
      } else {
      }
      %add3A_180 = arith.constant 3 : i32
      %add3A_181 = arith.addi %add3A_168, %add3A_180 : i32
      %lt3A_182 = arith.constant 50 : i32
      %lt3A_183 = arith.cmpi slt, %add3A_181, %lt3A_182 : i32
      %convert_element_type3A_184 = arith.extui %lt3A_183 : i1 to i32
      %cond3A_185 = arith.constant 0 : i32
      %cond3A_186 = arith.cmpi ne, %convert_element_type3A_184, %cond3A_185 : i32
      scf.if %cond3A_186 {
        %add3A_196 = arith.constant 3 : i32
        %add3A_197 = arith.addi %add3A_168, %add3A_196 : i32
        %dma_start3A_198 = arith.constant 0 : i32
        %dma_start3A_199 = tpu.memref_slice %arg5[%add3A_197, %dma_start3A_198] : memref<50x128xi32, #tpu.memory_space<vmem>> -> memref<1x128xi32, #tpu.memory_space<vmem>>
        %dma_start3A_200 = tpu.memref_squeeze %dma_start3A_199 : memref<1x128xi32, #tpu.memory_space<vmem>> -> memref<128xi32, #tpu.memory_space<vmem>>
        %dma_start3A_201 = arith.constant 0 : i32
        %dma_start3A_202 = arith.constant 0 : i32
        %dma_start3A_203 = tpu.memref_slice %arg3[%dma_start3A_201, %dma_start3A_202] : memref<100000x128xf32, #tpu.memory_space<hbm>> -> memref<100000x128xf32, #tpu.memory_space<hbm>>
        tpu.enqueue_indirect_dma source(%dma_start3A_203 : memref<100000x128xf32, #tpu.memory_space<hbm>>) target(%arg8 : memref<128x128xf32, #tpu.memory_space<vmem>>) offsets(%dma_start3A_200 : memref<128xi32, #tpu.memory_space<vmem>>) semaphore(%arg13 : memref<!tpu.dma_semaphore, #tpu.memory_space<semaphore_mem>>)
      } else {
      }
      %parallel_loop3A_187 = arith.constant 0 : i32
      %parallel_loop3A_188 = arith.constant 128 : i32
      %parallel_loop3A_189 = arith.constant 1 : i32
      scf.for %parallel_loop3A_196 = %parallel_loop3A_187 to %parallel_loop3A_188 step %parallel_loop3A_189  : i32 {
        %parallel_loop3A_197 = arith.index_cast %parallel_loop3A_196 : i32 to index
        %parallel_loop3A_198 = arith.constant 0 : index
        %parallel_loop3A_199 = tpu.vector_load %arg10[%parallel_loop3A_197, %parallel_loop3A_198] {strides = array<i32>} : memref<128x128xf32, #tpu.memory_space<vmem>>, vector<1x16xf32>,
        %parallel_loop3A_200 = vector.shape_cast %parallel_loop3A_199 : vector<1x16xf32> to vector<16xf32>
        %parallel_loop3A_201 = arith.constant 11.3137083 : f32
        %parallel_loop3A_202 = vector.broadcast %parallel_loop3A_201 : f32 to vector<16xf32>
        %parallel_loop3A_203 = arith.mulf %parallel_loop3A_200, %parallel_loop3A_202 : vector<16xf32>
        %parallel_loop3A_204 = arith.index_cast %parallel_loop3A_196 : i32 to index
        %parallel_loop3A_205 = arith.constant 0 : index
        %parallel_loop3A_206 = tpu.vector_load %arg10[%parallel_loop3A_204, %parallel_loop3A_205] {strides = array<i32>} : memref<128x128xf32, #tpu.memory_space<vmem>>, vector<1x16xf32>,
        %parallel_loop3A_207 = vector.shape_cast %parallel_loop3A_206 : vector<1x16xf32> to vector<16xf32>
        %parallel_loop3A_208 = vector.shape_cast %parallel_loop3A_203 : vector<16xf32> to vector<1x16xf32>
        tpu.vector_store %arg10[%parallel_loop3A_204, %parallel_loop3A_205], %parallel_loop3A_208 {strides = array<i32>} : memref<128x128xf32, #tpu.memory_space<vmem>>, vector<1x16xf32>,
        %parallel_loop3A_209 = arith.index_cast %parallel_loop3A_196 : i32 to index
        %parallel_loop3A_210 = arith.constant 16 : index
        %parallel_loop3A_211 = tpu.vector_load %arg10[%parallel_loop3A_209, %parallel_loop3A_210] {strides = array<i32>} : memref<128x128xf32, #tpu.memory_space<vmem>>, vector<1x16xf32>,
        %parallel_loop3A_212 = vector.shape_cast %parallel_loop3A_211 : vector<1x16xf32> to vector<16xf32>
        %parallel_loop3A_213 = arith.constant 11.3137083 : f32
        %parallel_loop3A_214 = vector.broadcast %parallel_loop3A_213 : f32 to vector<16xf32>
        %parallel_loop3A_215 = arith.mulf %parallel_loop3A_212, %parallel_loop3A_214 : vector<16xf32>
        %parallel_loop3A_216 = arith.index_cast %parallel_loop3A_196 : i32 to index
        %parallel_loop3A_217 = arith.constant 16 : index
        %parallel_loop3A_218 = tpu.vector_load %arg10[%parallel_loop3A_216, %parallel_loop3A_217] {strides = array<i32>} : memref<128x128xf32, #tpu.memory_space<vmem>>, vector<1x16xf32>,
        %parallel_loop3A_219 = vector.shape_cast %parallel_loop3A_218 : vector<1x16xf32> to vector<16xf32>
        %parallel_loop3A_220 = vector.shape_cast %parallel_loop3A_215 : vector<16xf32> to vector<1x16xf32>
        tpu.vector_store %arg10[%parallel_loop3A_216, %parallel_loop3A_217], %parallel_loop3A_220 {strides = array<i32>} : memref<128x128xf32, #tpu.memory_space<vmem>>, vector<1x16xf32>,
        %parallel_loop3A_221 = arith.index_cast %parallel_loop3A_196 : i32 to index
        %parallel_loop3A_222 = arith.constant 32 : index
        %parallel_loop3A_223 = tpu.vector_load %arg10[%parallel_loop3A_221, %parallel_loop3A_222] {strides = array<i32>} : memref<128x128xf32, #tpu.memory_space<vmem>>, vector<1x16xf32>,
        %parallel_loop3A_224 = vector.shape_cast %parallel_loop3A_223 : vector<1x16xf32> to vector<16xf32>
        %parallel_loop3A_225 = arith.constant 11.3137083 : f32
        %parallel_loop3A_226 = vector.broadcast %parallel_loop3A_225 : f32 to vector<16xf32>
        %parallel_loop3A_227 = arith.mulf %parallel_loop3A_224, %parallel_loop3A_226 : vector<16xf32>
        %parallel_loop3A_228 = arith.index_cast %parallel_loop3A_196 : i32 to index
        %parallel_loop3A_229 = arith.constant 32 : index
        %parallel_loop3A_230 = tpu.vector_load %arg10[%parallel_loop3A_228, %parallel_loop3A_229] {strides = array<i32>} : memref<128x128xf32, #tpu.memory_space<vmem>>, vector<1x16xf32>,
        %parallel_loop3A_231 = vector.shape_cast %parallel_loop3A_230 : vector<1x16xf32> to vector<16xf32>
        %parallel_loop3A_232 = vector.shape_cast %parallel_loop3A_227 : vector<16xf32> to vector<1x16xf32>
        tpu.vector_store %arg10[%parallel_loop3A_228, %parallel_loop3A_229], %parallel_loop3A_232 {strides = array<i32>} : memref<128x128xf32, #tpu.memory_space<vmem>>, vector<1x16xf32>,
        %parallel_loop3A_233 = arith.index_cast %parallel_loop3A_196 : i32 to index
        %parallel_loop3A_234 = arith.constant 48 : index
        %parallel_loop3A_235 = tpu.vector_load %arg10[%parallel_loop3A_233, %parallel_loop3A_234] {strides = array<i32>} : memref<128x128xf32, #tpu.memory_space<vmem>>, vector<1x16xf32>,
        %parallel_loop3A_236 = vector.shape_cast %parallel_loop3A_235 : vector<1x16xf32> to vector<16xf32>
        %parallel_loop3A_237 = arith.constant 11.3137083 : f32
        %parallel_loop3A_238 = vector.broadcast %parallel_loop3A_237 : f32 to vector<16xf32>
        %parallel_loop3A_239 = arith.mulf %parallel_loop3A_236, %parallel_loop3A_238 : vector<16xf32>
        %parallel_loop3A_240 = arith.index_cast %parallel_loop3A_196 : i32 to index
        %parallel_loop3A_241 = arith.constant 48 : index
        %parallel_loop3A_242 = tpu.vector_load %arg10[%parallel_loop3A_240, %parallel_loop3A_241] {strides = array<i32>} : memref<128x128xf32, #tpu.memory_space<vmem>>, vector<1x16xf32>,
        %parallel_loop3A_243 = vector.shape_cast %parallel_loop3A_242 : vector<1x16xf32> to vector<16xf32>
        %parallel_loop3A_244 = vector.shape_cast %parallel_loop3A_239 : vector<16xf32> to vector<1x16xf32>
        tpu.vector_store %arg10[%parallel_loop3A_240, %parallel_loop3A_241], %parallel_loop3A_244 {strides = array<i32>} : memref<128x128xf32, #tpu.memory_space<vmem>>, vector<1x16xf32>,
        %parallel_loop3A_245 = arith.index_cast %parallel_loop3A_196 : i32 to index
        %parallel_loop3A_246 = arith.constant 64 : index
        %parallel_loop3A_247 = tpu.vector_load %arg10[%parallel_loop3A_245, %parallel_loop3A_246] {strides = array<i32>} : memref<128x128xf32, #tpu.memory_space<vmem>>, vector<1x16xf32>,
        %parallel_loop3A_248 = vector.shape_cast %parallel_loop3A_247 : vector<1x16xf32> to vector<16xf32>
        %parallel_loop3A_249 = arith.constant 11.3137083 : f32
        %parallel_loop3A_250 = vector.broadcast %parallel_loop3A_249 : f32 to vector<16xf32>
        %parallel_loop3A_251 = arith.mulf %parallel_loop3A_248, %parallel_loop3A_250 : vector<16xf32>
        %parallel_loop3A_252 = arith.index_cast %parallel_loop3A_196 : i32 to index
        %parallel_loop3A_253 = arith.constant 64 : index
        %parallel_loop3A_254 = tpu.vector_load %arg10[%parallel_loop3A_252, %parallel_loop3A_253] {strides = array<i32>} : memref<128x128xf32, #tpu.memory_space<vmem>>, vector<1x16xf32>,
        %parallel_loop3A_255 = vector.shape_cast %parallel_loop3A_254 : vector<1x16xf32> to vector<16xf32>
        %parallel_loop3A_256 = vector.shape_cast %parallel_loop3A_251 : vector<16xf32> to vector<1x16xf32>
        tpu.vector_store %arg10[%parallel_loop3A_252, %parallel_loop3A_253], %parallel_loop3A_256 {strides = array<i32>} : memref<128x128xf32, #tpu.memory_space<vmem>>, vector<1x16xf32>,
        %parallel_loop3A_257 = arith.index_cast %parallel_loop3A_196 : i32 to index
        %parallel_loop3A_258 = arith.constant 80 : index
        %parallel_loop3A_259 = tpu.vector_load %arg10[%parallel_loop3A_257, %parallel_loop3A_258] {strides = array<i32>} : memref<128x128xf32, #tpu.memory_space<vmem>>, vector<1x16xf32>,
        %parallel_loop3A_260 = vector.shape_cast %parallel_loop3A_259 : vector<1x16xf32> to vector<16xf32>
        %parallel_loop3A_261 = arith.constant 11.3137083 : f32
        %parallel_loop3A_262 = vector.broadcast %parallel_loop3A_261 : f32 to vector<16xf32>
        %parallel_loop3A_263 = arith.mulf %parallel_loop3A_260, %parallel_loop3A_262 : vector<16xf32>
        %parallel_loop3A_264 = arith.index_cast %parallel_loop3A_196 : i32 to index
        %parallel_loop3A_265 = arith.constant 80 : index
        %parallel_loop3A_266 = tpu.vector_load %arg10[%parallel_loop3A_264, %parallel_loop3A_265] {strides = array<i32>} : memref<128x128xf32, #tpu.memory_space<vmem>>, vector<1x16xf32>,
        %parallel_loop3A_267 = vector.shape_cast %parallel_loop3A_266 : vector<1x16xf32> to vector<16xf32>
        %parallel_loop3A_268 = vector.shape_cast %parallel_loop3A_263 : vector<16xf32> to vector<1x16xf32>
        tpu.vector_store %arg10[%parallel_loop3A_264, %parallel_loop3A_265], %parallel_loop3A_268 {strides = array<i32>} : memref<128x128xf32, #tpu.memory_space<vmem>>, vector<1x16xf32>,
        %parallel_loop3A_269 = arith.index_cast %parallel_loop3A_196 : i32 to index
        %parallel_loop3A_270 = arith.constant 96 : index
        %parallel_loop3A_271 = tpu.vector_load %arg10[%parallel_loop3A_269, %parallel_loop3A_270] {strides = array<i32>} : memref<128x128xf32, #tpu.memory_space<vmem>>, vector<1x16xf32>,
        %parallel_loop3A_272 = vector.shape_cast %parallel_loop3A_271 : vector<1x16xf32> to vector<16xf32>
        %parallel_loop3A_273 = arith.constant 11.3137083 : f32
        %parallel_loop3A_274 = vector.broadcast %parallel_loop3A_273 : f32 to vector<16xf32>
        %parallel_loop3A_275 = arith.mulf %parallel_loop3A_272, %parallel_loop3A_274 : vector<16xf32>
        %parallel_loop3A_276 = arith.index_cast %parallel_loop3A_196 : i32 to index
        %parallel_loop3A_277 = arith.constant 96 : index
        %parallel_loop3A_278 = tpu.vector_load %arg10[%parallel_loop3A_276, %parallel_loop3A_277] {strides = array<i32>} : memref<128x128xf32, #tpu.memory_space<vmem>>, vector<1x16xf32>,
        %parallel_loop3A_279 = vector.shape_cast %parallel_loop3A_278 : vector<1x16xf32> to vector<16xf32>
        %parallel_loop3A_280 = vector.shape_cast %parallel_loop3A_275 : vector<16xf32> to vector<1x16xf32>
        tpu.vector_store %arg10[%parallel_loop3A_276, %parallel_loop3A_277], %parallel_loop3A_280 {strides = array<i32>} : memref<128x128xf32, #tpu.memory_space<vmem>>, vector<1x16xf32>,
        %parallel_loop3A_281 = arith.index_cast %parallel_loop3A_196 : i32 to index
        %parallel_loop3A_282 = arith.constant 112 : index
        %parallel_loop3A_283 = tpu.vector_load %arg10[%parallel_loop3A_281, %parallel_loop3A_282] {strides = array<i32>} : memref<128x128xf32, #tpu.memory_space<vmem>>, vector<1x16xf32>,
        %parallel_loop3A_284 = vector.shape_cast %parallel_loop3A_283 : vector<1x16xf32> to vector<16xf32>
        %parallel_loop3A_285 = arith.constant 11.3137083 : f32
        %parallel_loop3A_286 = vector.broadcast %parallel_loop3A_285 : f32 to vector<16xf32>
        %parallel_loop3A_287 = arith.mulf %parallel_loop3A_284, %parallel_loop3A_286 : vector<16xf32>
        %parallel_loop3A_288 = arith.index_cast %parallel_loop3A_196 : i32 to index
        %parallel_loop3A_289 = arith.constant 112 : index
        %parallel_loop3A_290 = tpu.vector_load %arg10[%parallel_loop3A_288, %parallel_loop3A_289] {strides = array<i32>} : memref<128x128xf32, #tpu.memory_space<vmem>>, vector<1x16xf32>,
        %parallel_loop3A_291 = vector.shape_cast %parallel_loop3A_290 : vector<1x16xf32> to vector<16xf32>
        %parallel_loop3A_292 = vector.shape_cast %parallel_loop3A_287 : vector<16xf32> to vector<1x16xf32>
        tpu.vector_store %arg10[%parallel_loop3A_288, %parallel_loop3A_289], %parallel_loop3A_292 {strides = array<i32>} : memref<128x128xf32, #tpu.memory_space<vmem>>, vector<1x16xf32>,
      } {sc.loop_unroll_factor = 4 : i64, sc.parallel_access}
      %dma_start3A_190 = arith.constant 0 : i32
      %dma_start3A_191 = tpu.memref_slice %arg4[%add3A_168, %mul3A_2, %dma_start3A_190] : memref<50x4096x128xf32, #tpu.memory_space<hbm>> -> memref<1x128x128xf32, #tpu.memory_space<hbm>>
      %dma_start3A_192 = tpu.memref_squeeze %dma_start3A_191 : memref<1x128x128xf32, #tpu.memory_space<hbm>> -> memref<128x128xf32, #tpu.memory_space<hbm>>
      %dma_start3A_193 = arith.constant 0 : i32
      %dma_start3A_194 = tpu.memref_slice %arg4[%add3A_168, %mul3A_2, %dma_start3A_193] : memref<50x4096x128xf32, #tpu.memory_space<hbm>> -> memref<1x128x128xf32, #tpu.memory_space<hbm>>
      %dma_start3A_195 = tpu.memref_squeeze %dma_start3A_194 : memref<1x128x128xf32, #tpu.memory_space<hbm>> -> memref<128x128xf32, #tpu.memory_space<hbm>>
      tpu.enqueue_dma source(%arg10 : memref<128x128xf32, #tpu.memory_space<vmem>>) target(%dma_start3A_195 : memref<128x128xf32, #tpu.memory_space<hbm>>) target_semaphore(%arg20 : memref<!tpu.dma_semaphore, #tpu.memory_space<semaphore_mem>>)
    }
    %scan3A_27 = arith.constant 10 : i32
    %dma_wait3A = arith.constant 0 : i32
    %dma_wait3A_28 = arith.constant 0 : i32
    %dma_wait3A_29 = arith.constant 0 : i32
    %dma_wait3A_30 = tpu.memref_slice %arg4[%dma_wait3A, %dma_wait3A_28, %dma_wait3A_29] : memref<50x4096x128xf32, #tpu.memory_space<hbm>> -> memref<1x128x128xf32, #tpu.memory_space<hbm>>
    %dma_wait3A_31 = tpu.memref_squeeze %dma_wait3A_30 : memref<1x128x128xf32, #tpu.memory_space<hbm>> -> memref<128x128xf32, #tpu.memory_space<hbm>>
    %dma_wait3A_32 = arith.constant 0 : i32
    %dma_wait3A_33 = arith.constant 0 : i32
    %dma_wait3A_34 = tpu.memref_slice %arg4[%dma_wait3A, %dma_wait3A_32, %dma_wait3A_33] : memref<50x4096x128xf32, #tpu.memory_space<hbm>> -> memref<1x128x128xf32, #tpu.memory_space<hbm>>
    %dma_wait3A_35 = tpu.memref_squeeze %dma_wait3A_34 : memref<1x128x128xf32, #tpu.memory_space<hbm>> -> memref<128x128xf32, #tpu.memory_space<hbm>>
    tpu.wait_dma2 semaphore(%arg19 : memref<!tpu.dma_semaphore, #tpu.memory_space<semaphore_mem>>) src(%arg9 : memref<128x128xf32, #tpu.memory_space<vmem>>) dst(%dma_wait3A_35 : memref<128x128xf32, #tpu.memory_space<hbm>>)
    %dma_wait3A_36 = arith.constant 0 : i32
    %dma_wait3A_37 = arith.constant 0 : i32
    %dma_wait3A_38 = arith.constant 0 : i32
    %dma_wait3A_39 = tpu.memref_slice %arg4[%dma_wait3A_36, %dma_wait3A_37, %dma_wait3A_38] : memref<50x4096x128xf32, #tpu.memory_space<hbm>> -> memref<1x128x128xf32, #tpu.memory_space<hbm>>
    %dma_wait3A_40 = tpu.memref_squeeze %dma_wait3A_39 : memref<1x128x128xf32, #tpu.memory_space<hbm>> -> memref<128x128xf32, #tpu.memory_space<hbm>>
    %dma_wait3A_41 = arith.constant 0 : i32
    %dma_wait3A_42 = arith.constant 0 : i32
    %dma_wait3A_43 = tpu.memref_slice %arg4[%dma_wait3A_36, %dma_wait3A_41, %dma_wait3A_42] : memref<50x4096x128xf32, #tpu.memory_space<hbm>> -> memref<1x128x128xf32, #tpu.memory_space<hbm>>
    %dma_wait3A_44 = tpu.memref_squeeze %dma_wait3A_43 : memref<1x128x128xf32, #tpu.memory_space<hbm>> -> memref<128x128xf32, #tpu.memory_space<hbm>>
    tpu.wait_dma2 semaphore(%arg20 : memref<!tpu.dma_semaphore, #tpu.memory_space<semaphore_mem>>) src(%arg10 : memref<128x128xf32, #tpu.memory_space<vmem>>) dst(%dma_wait3A_44 : memref<128x128xf32, #tpu.memory_space<hbm>>)
    return
  }
}

</mosaic_0001>

<sc_bundles>
// kernel: kernel.3.cloned.1.call-start
scs
__scs_entry_jumppad:
0x0: {  	(pc) =	sbr.rel $0x88, $3  }
0x1: {  	(tag) =	ssettag $0x0;
	lr =	simm.s32 $0x1  }
0x2: {  	[smem:$0x3F9F] =	sst lr;
	_ =	strace $0xD0000000  }
0x3: {  	_ = 	snop  }
0x4: {  	_ = 	snop  }
0x5: {  	_ = 	snop  }
0x6: {  	_ = 	snop  }
0x7: {  	_ = 	snop  }
__scs_overlays_trampoline_lowered:
0x8: {  	[smem:$0x3FAE] =	sst s0  }
0x9: {  	[smem:$0x3FAF] =	sst s1  }
0xa: {  	[smem:$0x3FB0] =	sst s2  }
0xb: {  	[smem:$0x3FB1] =	sst s3  }
0xc: {  	[smem:$0x3FB2] =	sst s4  }
0xd: {  	[smem:$0x3FB3] =	sst s5  }
0xe: {  	[smem:$0x3FB4] =	sst s6  }
0xf: {  	[smem:$0x3FB5] =	sst s7  }
0x10: {  	[smem:$0x3FB6] =	sst s8  }
0x11: {  	[smem:$0x3FB7] =	sst s9;
	s0 =	simm.s32 @!p0 $0x0  }
0x12: {  	s1 =	sld [smem:$0x3F9D];
	s0 =	simm.s32 @p0 $0x1  }
0x13: {  	[smem:$0x3FB8] =	sst s0;
	s0 =	simm.s32 @!p1 $0x0  }
0x14: {  	s2 =	sld [smem:$0x3F9C];
	s0 =	simm.s32 @p1 $0x1  }
0x15: {  	[smem:$0x3FB9] =	sst s0;
	s0 =	simm.s32 @!p2 $0x0  }
0x16: {  	s3 =	sld [smem:$0x3FDB];
	s0 =	simm.s32 @p2 $0x1  }
0x17: {  	s4 =	simm.s32 $0x1BF5;
	[smem:$0x3FBB] =	sst s0  }
0x18: {  	s0 =	sld [smem:$0x3F9E];
	_ =	swait.ge [sflag:s4], $0x0  }
0x19: {  	s7 =	sld [smem:$0x3F9F]  }
0x1a: {  	s8 =	sadd.s32 $0xFFFFE003, lr  }
0x1b: {  	s9 =	sadd.s32 $0xFFFFFEF7, lr;
	s5 =	simm.s32 $0xFFFFFFFF;
	p2 =	slt.u32 s8, $0xFFFFF086  }
0x1c: {  	p1 =	slt.u32 s9, $0xF7A;
	s5 =	simm.s32 @!p2 $0x0  }
0x1d: {  	s5 =	simm.s32 @p1 $0x1;
	p0 =	seq.s32 s7, s2  }
0x1e: {  	s7 =	smul.u32 @!p0 $0xF7A, s2;
	p2 =	seq.s32 @!p0 s5, $0x0  }
0x1f: {  	s9 =	smul.u32 $0xF7A, s1;
	s8 =	simm.s32 @!p0 $0x1BF5;
	p2 =	por !p2, p0  }
0x20: {  	[sflag:s8] =	ssyncset.s32 @!p0 $0xFFFFF086;
	s6 =	sadd.s32 @!p0 s3, s7;
	s7 =	simm.s32 @!p0 $0x108  }
0x21: {  	s3 =	sadd.s32 s3, s9;
	s6 =	sadd.s32 @!p0 $0x88, s6;
	s7 =	simm.s32 @p2 $0x1082  }
0x22: {  	[simem:s7], [sflag:s8] =	dma.local @!p0 [hbm:s6], $0xF7A  }
0x23: {  	s9 =	sor.u32 $0xD0000000, s2;
	s6 =	simm.s32 $0x108;
	_ =	swait.ge @!p0 [sflag:s8], $0x0  }
0x24: {  	s3 =	sadd.s32 $0x88, s3;
	s6 =	simm.s32 @!p1 $0x1082;
	[sflag:s4] =	ssyncset.s32 $0xFFFFF086  }
0x25: {  	[simem:s6], [sflag:s4] =	dma.local [hbm:s3], $0xF7A  }
0x26: {  	[smem:$0x3F9F] =	sst s1;
	(tag) =	ssettag s2;
	_ =	strace s9  }
0x27: {  	s1 =	sld [smem:$0x3FAF]  }
0x28: {  	s2 =	sld [smem:$0x3FB0]  }
0x29: {  	s4 =	sld [smem:$0x3FB2]  }
0x2a: {  	p0 =	seq.s32 s5, $0x0;
	s5 =	sld [smem:$0x3FB3]  }
0x2b: {  	s6 =	sld [smem:$0x3FB4]  }
0x2c: {  	s7 =	sld [smem:$0x3FB5]  }
0x2d: {  	s3 =	simm.s32 $0x108;
	s8 =	sld [smem:$0x3FB6]  }
0x2e: {  	s3 =	simm.s32 @!p0 $0x1082;
	s9 =	sld [smem:$0x3FB7]  }
0x2f: {  	lr =	sadd.s32 s0, s3;
	s0 =	sld [smem:$0x3FAE]  }
0x30: {  	s3 =	sld [smem:$0x3FB1]  }
0x31: {  	[smem:$0x3FBA] =	sst s10  }
0x32: {  	s10 =	sld [smem:$0x3FB8];
	_ =	sdelay $0x3  }
0x33: {  	p0 =	seq.s32 s10, $0x1;
	s10 =	sld [smem:$0x3FBA];
	_ =	sdelay $0x3  }
0x34: {  	[smem:$0x3FBA] =	sst s10  }
0x35: {  	s10 =	sld [smem:$0x3FB9];
	_ =	sdelay $0x3  }
0x36: {  	p1 =	seq.s32 s10, $0x1;
	s10 =	sld [smem:$0x3FBA];
	_ =	sdelay $0x3  }
0x37: {  	[smem:$0x3FBA] =	sst s10  }
0x38: {  	s10 =	sld [smem:$0x3FBB]  }
0x39: {  	_ = 	snop;
	(pc) =	sbr.ind lr, $3  }
0x3a: {  	_ = 	snop  }
0x3b: {  	_ = 	snop  }
0x3c: {  	p2 =	seq.s32 s10, $0x1;
	s10 =	sld [smem:$0x3FBA]  }
0x3d: {  	_ =	shalt  }
0x3e: {  	_ =	shalt  }
0x3f: {  	_ =	shalt  }
0x40: {  	_ =	shalt  }
0x41: {  	_ =	shalt  }
0x42: {  	_ =	shalt  }
0x43: {  	_ =	shalt  }
0x44: {  	_ =	shalt  }
0x45: {  	_ =	shalt  }
0x46: {  	_ =	shalt  }
0x47: {  	_ =	shalt  }
0x48: {  	_ =	shalt  }
0x49: {  	_ =	shalt  }
0x4a: {  	_ =	shalt  }
0x4b: {  	_ =	shalt  }
0x4c: {  	_ =	shalt  }
0x4d: {  	_ =	shalt  }
0x4e: {  	_ =	shalt  }
0x4f: {  	_ =	shalt  }
0x50: {  	_ =	shalt  }
0x51: {  	_ =	shalt  }
0x52: {  	_ =	shalt  }
0x53: {  	_ =	shalt  }
0x54: {  	_ =	shalt  }
0x55: {  	_ =	shalt  }
0x56: {  	_ =	shalt  }
0x57: {  	_ =	shalt  }
0x58: {  	_ =	shalt  }
0x59: {  	_ =	shalt  }
0x5a: {  	_ =	shalt  }
0x5b: {  	_ =	shalt  }
0x5c: {  	_ =	shalt  }
0x5d: {  	_ =	shalt  }
0x5e: {  	_ =	shalt  }
0x5f: {  	_ =	shalt  }
0x60: {  	_ =	shalt  }
0x61: {  	_ =	shalt  }
0x62: {  	_ =	shalt  }
0x63: {  	_ =	shalt  }
0x64: {  	_ =	shalt  }
0x65: {  	_ =	shalt  }
0x66: {  	_ =	shalt  }
0x67: {  	_ =	shalt  }
0x68: {  	_ =	shalt  }
0x69: {  	_ =	shalt  }
0x6a: {  	_ =	shalt  }
0x6b: {  	_ =	shalt  }
0x6c: {  	_ =	shalt  }
0x6d: {  	_ =	shalt  }
0x6e: {  	_ =	shalt  }
0x6f: {  	_ =	shalt  }
0x70: {  	_ =	shalt  }
0x71: {  	_ =	shalt  }
0x72: {  	_ =	shalt  }
0x73: {  	_ =	shalt  }
0x74: {  	_ =	shalt  }
0x75: {  	_ =	shalt  }
0x76: {  	_ =	shalt  }
0x77: {  	_ =	shalt  }
0x78: {  	_ =	shalt  }
0x79: {  	_ =	shalt  }
0x7a: {  	_ =	shalt  }
0x7b: {  	_ =	shalt  }
0x7c: {  	_ =	shalt  }
0x7d: {  	_ =	shalt  }
0x7e: {  	_ =	shalt  }
0x7f: {  	_ =	shalt  }
0x80: {  	_ =	shalt  }
0x81: {  	_ =	shalt  }
0x82: {  	_ =	shalt  }
0x83: {  	_ =	shalt  }
0x84: {  	_ =	shalt  }
0x85: {  	_ =	shalt  }
0x86: {  	_ =	shalt  }
0x87: {  	_ =	shalt  }
.Lfunc_end0:
.L_simem_size_0:
called_computation_lowered:
.L_overlay_start_0:
0x88: {  	s2 =	sld [smem:$0x3FD9]  }
0x89: {  	s3 =	sld [smem:$0x3FFE];
	_ =	sdelay $0x1  }
0x8a: {  	s1 =	srdreg.scid  }
0x8b: {  	s0 =	sand.u32 $0x1, s1  }
0x8c: {  	s18 =	sshll.u32 s0, $0xA;
	s2 =	sadd.s32 s3, s2  }
0x8d: {  	s2 =	sadd.s32 s2, s18  }
0x8e: {  	[smem:$0x3FC6] =	sst s2  }
0x8f: {  	_ = 	snop  }
0x90: {  	s2 =	sld [smem:$0x3FC9]  }
0x91: {  	s19 =	sld [smem:$0x3FC8]  }
0x92: {  	s4 =	sld [smem:$0x3FD0];
	(tm) =	ssettm $0x1  }
0x93: {  	s5 =	sld [smem:$0x3FFB];
	_ =	sdelay $0x3  }
0x94: {  	_ =	strace s5  }
0x95: {  	s5 =	sld [smem:$0x3FFC];
	_ =	sdelay $0x3  }
0x96: {  	_ =	strace s5  }
0x97: {  	s5 =	sld [smem:$0x3FFD];
	_ =	sdelay $0x3  }
0x98: {  	_ =	strace s5  }
0x99: {  	_ =	strace $0x8FFFFFFF  }
0x9a: {  	s20 =	sld [smem:$0x3FDB];
	_ =	sdelay $0x1  }
0x9b: {  	s6 =	simm.s32 $_scs_section_size  }
0x9c: {  	s7 =	simm.s32 $_size__tile_overlayer_lowered;
	s8 =	simm.s32 $_tile_overlayer_lowered  }
0x9d: {  	s23 =	simm.s32 $0x1BFF;
	s22 =	sshll.u32 s8, $0x1;
	s5 =	sadd.s32 s6, s20  }
0x9e: {  	s9 =	simm.s32 $0x0;
	s21 =	sshll.u32 s7, $0x1;
	s7 =	sadd.s32 s22, s5  }
0x9f: {  	[timem:s9], [sflag:s23] =	dma.local [hbm:s7], s21  }
0xa0: {  	_ =	swait.ge [sflag:s23], s21  }
0xa1: {  	s6 =	ssub.s32 $0x0, s21;
	[sflag:s23] =	ssyncset.done $0x0  }
0xa2: {  	[sflag:s23] =	ssyncadd.s32 s6;
	_ =	sdelay $0x1  }
0xa3: {  	s24 =	simm.s32 $0x1B8B  }
0xa4: {  	_ =	swait.ge [sflag:s24], $0x1  }
0xa5: {  	[sflag:s24] =	ssyncset.done $0x0  }
0xa6: {  	s25 =	simm.s32 $0x1B8E;
	[sflag:s24] =	ssyncadd.s32 $0xFFFFFFFF  }
0xa7: {  	s26 =	simm.s32 $execute0_lowered;
	[smem:$0x3FD2] =	sst s25  }
0xa8: {  	s6 =	sshll.u32 s26, $0x1;
	_ =	strace $0x80000046;
	[dreg:$0x1] =	wrdreg $0xFFFFFFFF  }
0xa9: {  	s28 =	simm.s32 $_size_execute0_lowered;
	s5 =	sadd.s32 s5, s6;
	[dreg:$0x0] =	wrdreg $0x0  }
0xaa: {  	s6 =	sshll.u32 s28, $0x1;
	[dreg:$0x2] =	wrdreg s5  }
0xab: {  	[dreg:$0x3] =	wrdreg s6  }
0xac: {  	[dreg:$0x4] =	wrdreg $0xC0  }
0xad: {  	_ =	task [dreg:s9], $0x5FFFF  }
0xae: {  	[dreg:$0x1] =	wrdreg $0xFFFFFFFF  }
0xaf: {  	[dreg:$0x0] =	wrdreg $0x60  }
0xb0: {  	[dreg:$0x2] =	wrdreg s2  }
0xb1: {  	[dreg:$0x3] =	wrdreg s19  }
0xb2: {  	[dreg:$0x4] =	wrdreg s4  }
0xb3: {  	[dreg:$0x5] =	wrdreg $0x9  }
0xb4: {  	_ =	task.clear_ibuf [dreg:s9], $0x6FFFF;
	_ =	strace $0x90000046  }
0xb5: {  	s29 =	simm.s32 $0x9;
	_ =	strace $0x80000048  }
0xb6: {  	_ =	swait.ge [sflag:s29], $0x1  }
0xb7: {  	[sflag:s29] =	ssyncadd.s32 $0xFFFFFFFF  }
0xb8: {  	_ =	strace $0x90000048  }
0xb9: {  	_ =	sfence  }
0xba: {  	s30 =	sld [smem:$0x0];
	_ =	sdelay $0x2  }
0xbb: {  	s31 =	sshll.u32 s1, $0xD;
	s1 =	sshrl.u32 s1, $0x2  }
0xbc: {  	s3 =	sand.u32 $0x4000, s31;
	s1 =	sadd.s32 s1, s30  }
0xbd: {  	s0 =	sor.u32 s3, s0;
	s1 =	sshll.u32 s1, $0x11  }
0xbe: {  	s0 =	sor.u32 s1, s0  }
0xbf: {  	s0 =	sadd.s32 $0x8F2B, s0  }
0xc0: {  	[sflag:s0] =	ssyncadd.remote.s32 $0x1  }
0xc1: {  	_ =	sfence.sel $0xFFFF  }
0xc2: {  	[dreg:$0x0] =	wrdreg $0xFFFFFFFF;
	(pc) =	sbr.abs _section_cstart, $3  }
0xc3: {  	[dreg:$0x1] =	wrdreg $0xFFFFFFFF  }
0xc4: {  	_ =	task.clear_ibuf [dreg:s9], $0x2FFFF;
	_ =	strace $0x9FFFFFFF  }
0xc5: {  	(tm) =	ssettm $0x7FFFFFFF  }
tec
execute0_lowered:
.L_overlay_start_1:
0x0: {  	(tag) =	ssettag $0x1  }
0x1: {  	s0 =	rddreg [dreg:$0x0]  }
0x2: {  	s1 =	rddreg [dreg:$0x1]  }
0x3: {  	s3 =	rddreg [dreg:$0x2];
	s2 =	srdreg.scid;
	s4 =	simm.s32 $0x0  }
0x4: {  	s5 =	stileid.u32;
	s15 =	simm.s32 $0x80;
	s16 =	simm.s32 $0x1C00  }
0x5: {  	s17 =	simm.s32 $0x5C00;
	s19 =	simm.s32 $0x9C00;
	s20 =	simm.s32 $0x1  }
0x6: {  	s21 =	simm.s32 $0xDC00;
	s22 =	simm.s32 $0x2;
	s23 =	simm.s32 $0x11C00  }
0x7: {  	s24 =	simm.s32 $0x3;
	s28 =	simm.s32 $0x7;
	s29 =	simm.s32 $0x5  }
0x8: {  	s30 =	simm.s32 $0x8;
	s31 =	simm.s32 $0x9;
	s2 =	sand.u32 $0x1, s2  }
0x9: {  	[smem:$0x7FF] =	sst s4;
	s5 =	sshll.u32 s5, $0x8;
	s6 =	sshll.u32 s2, $0x7  }
0xa: {  	_ =	strace $0x80000047;
	s2 =	ssub.s32 $0x2, s2;
	s5 =	sor.u32 s6, s5  }
0xb: {  	s7 =	sshrl.u32 s2, $0x1;
	s8 =	sadd.s32 s0, s5;
	s6 =	sshll.u32 s5, $0x7  }
0xc: {  	s25 =	ssub.s32 s2, s7;
	s2 =	simm.s32 $0x0;
	[dreg:$0x4] =	wrdreg s8  }
0xd: {  	s26 =	sadd.s32 $0x6000, s8;
	s8 =	sor.u32 $0x80000, s6;
	s9 =	sor.u32 $0x100000, s6  }
0xe: {  	s0 =	smax.u32 s25, $0x1;
	s25 =	simm.s32 $0x6;
	[dreg:$0x5] =	wrdreg s26  }
0xf: {  	[dreg:$0x6] =	wrdreg s0;
	s26 =	simm.s32 $0x4;
	s0 =	simm.s32 $0xA  }
.LBB2_1:
0x10: {  	s5 =	rddreg [dreg:$0x4];
	s7 =	simm.s32 $0x400;
	s10 =	simm.s32 $0x8000  }
0x11: {  	[tilespmem:s4], [sflag:$0xB] =	stream.strided.gather [hbm4b:s5+s7], $0x1800, s10, s7, $0x38;
	[tilespmem:$0x15C00] =	vst v63  }
0x12: {  	s12 =	rddreg [dreg:$0x5];
	s13 =	simm.s32 $0x1800;
	s14 =	simm.s32 $0xB  }
0x13: {  	[tilespmem:s13], [sflag:$0xB] =	stream.linear.gather [hbm4b:s12+s4], $0x100, $0x38;
	[tilespmem:$0x15C00] =	vst v63  }
0x14: {  	_ =	swait.ge [sflag:s14], $0x1900  }
0x15: {  	[sflag:s14] =	ssyncset.done $0x0  }
0x16: {  	[sflag:s14] =	ssyncadd.s32 $0xFFFFE700  }
0x17: {  	[tilespmem:s16], [sflag:$0x1] =	stream.indirect.gather [hbm4b:s1+s15], $0x80, s4, s15, $0xb8;
	[tilespmem:$0x15C00] =	vst v63  }
0x18: {  	_ = 	snop  }
0x19: {  	[tilespmem:s17], [sflag:$0x2] =	stream.indirect.gather [hbm4b:s1+s15], $0x80, s15, s15, $0xb8;
	[tilespmem:$0x15C00] =	vst v63  }
0x1a: {  	s18 =	simm.s32 $0x100;
	s11 =	simm.s32 $0x0  }
0x1b: {  	[tilespmem:s19], [sflag:$0x3] =	stream.indirect.gather [hbm4b:s1+s15], $0x80, s18, s15, $0xb8;
	[tilespmem:$0x15C00] =	vst v63  }
.LBB2_2:
0x1c: {  	_ =	swait.ge [sflag:s20], $0x4000  }
0x1d: {  	s7 =	smul.u32 $0x5, s11;
	p0 =	seq.s32 s11, $0x0;
	[sflag:s20] =	ssyncset.done $0x0  }
0x1e: {  	s5 =	simm.s32 @!p0 $0x9;
	[sflag:s20] =	ssyncadd.s32 $0xFFFFC000  }
0x1f: {  	s12 =	sadd.s32 $0x3, s7;
	_ =	swait.ge @!p0 [sflag:s5], $0x4000  }
0x20: {  	s10 =	sshll.u32 s12, $0x7;
	[sflag:s5] =	ssyncset.done @!p0 $0x0  }
0x21: {  	s13 =	simm.s32 $0x1D00;
	s18 =	sand.u32 $0x3FFFFF80, s10;
	[sflag:s5] =	ssyncadd.s32 @!p0 $0xFFFFC000  }
0x22: {  	[tilespmem:s21], [sflag:$0x4] =	stream.indirect.gather [hbm4b:s1+s15], $0x80, s18, s15, $0xb8;
	[tilespmem:$0x15C00] =	vst v63  }
0x23: {  	v0 =	vld [tilespmem:s13+$0xF0]  }
0x24: {  	v1 =	vld [tilespmem:s13+$0xFFFFFF10]  }
0x25: {  	v2 =	vld [tilespmem:s13+$0xFFFFFF20]  }
0x26: {  	v3 =	vld [tilespmem:s13+$0xFFFFFF30]  }
0x27: {  	v6 =	vld [tilespmem:s13+$0xFFFFFF60]  }
0x28: {  	v4 =	vld [tilespmem:s13+$0xFFFFFF40]  }
0x29: {  	v5 =	vld [tilespmem:s13+$0xFFFFFF50];
	v0 =	vmul.f32 $1.131370830e+01, v0  }
0x2a: {  	v8 =	vld [tilespmem:s13+$0xFFFFFF80];
	v1 =	vmul.f32 $1.131370830e+01, v1  }
0x2b: {  	v7 =	vld [tilespmem:s13+$0xFFFFFF70];
	v2 =	vmul.f32 $1.131370830e+01, v2;
	[tilespmem:s13+$0xF0] =	vst v0  }
0x2c: {  	v6 =	vmul.f32 $1.131370830e+01, v6;
	v0 =	vld [tilespmem:s13+$0xFFFFFF90];
	[tilespmem:s13+$0xFFFFFF10] =	vst v1  }
0x2d: {  	v1 =	vmul.f32 $1.131370830e+01, v3;
	v3 =	vld [tilespmem:s13+$0xFFFFFFA0];
	[tilespmem:s13+$0xFFFFFF20] =	vst v2;
	v2 =	vmul.f32 $1.131370830e+01, v4  }
0x2e: {  	[tilespmem:s13+$0xFFFFFF60] =	vst v6;
	v6 =	vld [tilespmem:s13+$0xFFFFFFF0]  }
0x2f: {  	v4 =	vld [tilespmem:s13+$0xFFFFFFB0];
	[tilespmem:s13+$0xFFFFFF40] =	vst v2;
	v2 =	vmul.f32 $1.131370830e+01, v8  }
0x30: {  	[tilespmem:s13+$0xFFFFFF30] =	vst v1;
	v1 =	vmul.f32 $1.131370830e+01, v5;
	v5 =	vld [tilespmem:s13+$0xFFFFFFC0]  }
0x31: {  	v8 =	vld [tilespmem:s13+$0xFFFFFFD0];
	[tilespmem:s13+$0xFFFFFF80] =	vst v2;
	v2 =	vmul.f32 $1.131370830e+01, v7  }
0x32: {  	[tilespmem:s13+$0xFFFFFF50] =	vst v1;
	v1 =	vld [tilespmem:s13+$0xFFFFFFE0];
	v0 =	vmul.f32 $1.131370830e+01, v0  }
0x33: {  	v7 =	vld [tilespmem:s13+$0x30];
	v6 =	vmul.f32 $1.131370830e+01, v6;
	[tilespmem:s13+$0xFFFFFF70] =	vst v2  }
0x34: {  	v2 =	vmul.f32 $1.131370830e+01, v3;
	v3 =	vld [tilespmem:s13+$0x0];
	[tilespmem:s13+$0xFFFFFF90] =	vst v0  }
0x35: {  	v0 =	vmul.f32 $1.131370830e+01, v4;
	v4 =	vld [tilespmem:s13+$0x10];
	[tilespmem:s13+$0xFFFFFFF0] =	vst v6  }
0x36: {  	[tilespmem:s13+$0xFFFFFFA0] =	vst v2;
	v2 =	vmul.f32 $1.131370830e+01, v5;
	v5 =	vld [tilespmem:s13+$0x20]  }
0x37: {  	v6 =	vld [tilespmem:s13+$0x80];
	[tilespmem:s13+$0xFFFFFFB0] =	vst v0;
	v0 =	vmul.f32 $1.131370830e+01, v8  }
0x38: {  	v1 =	vmul.f32 $1.131370830e+01, v1;
	[tilespmem:s13+$0xFFFFFFC0] =	vst v2;
	v2 =	vld [tilespmem:s13+$0x40]  }
0x39: {  	[tilespmem:s13+$0xFFFFFFD0] =	vst v0;
	v0 =	vmul.f32 $1.131370830e+01, v3;
	v3 =	vld [tilespmem:s13+$0x50]  }
0x3a: {  	[tilespmem:s13+$0xFFFFFFE0] =	vst v1;
	v1 =	vld [tilespmem:s13+$0x60];
	v4 =	vmul.f32 $1.131370830e+01, v4  }
0x3b: {  	[tilespmem:s13+$0x0] =	vst v0;
	v0 =	vmul.f32 $1.131370830e+01, v5;
	v5 =	vld [tilespmem:s13+$0x70]  }
0x3c: {  	v6 =	vmul.f32 $1.131370830e+01, v6;
	[tilespmem:s13+$0x10] =	vst v4  }
0x3d: {  	v4 =	vmul.f32 $1.131370830e+01, v7;
	v7 =	vld [tilespmem:s13+$0x90];
	[tilespmem:s13+$0x20] =	vst v0;
	v0 =	vmul.f32 $1.131370830e+01, v2  }
0x3e: {  	v8 =	vld [tilespmem:s13+$0xA0];
	[tilespmem:s13+$0x80] =	vst v6;
	v2 =	vmul.f32 $1.131370830e+01, v3  }
0x3f: {  	v3 =	vmul.f32 $1.131370830e+01, v1;
	[tilespmem:s13+$0x40] =	vst v0;
	v0 =	vld [tilespmem:s13+$0xB0]  }
0x40: {  	v1 =	vld [tilespmem:s13+$0xC0];
	[tilespmem:s13+$0x50] =	vst v2;
	v2 =	vmul.f32 $1.131370830e+01, v5  }
0x41: {  	[tilespmem:s13+$0x60] =	vst v3;
	v3 =	vld [tilespmem:s13+$0xD0]  }
0x42: {  	v5 =	vmul.f32 $1.131370830e+01, v7;
	[tilespmem:s13+$0x70] =	vst v2;
	v2 =	vld [tilespmem:s13+$0xE0]  }
0x43: {  	s10 =	simm.s32 $0x0;
	s5 =	simm.s32 $0x1F00;
	v6 =	vmul.f32 $1.131370830e+01, v8;
	[tilespmem:s13+$0x30] =	vst v4;
	v4 =	vld [tilespmem:s13+$0xFFFFFF00]  }
.LBB2_3:
0x44: {  	v7 =	vld [tilespmem:s5+$0xF0];
	s10 =	sadd.s32 $0x4, s10;
	[tilespmem:s13+$0x90] =	vst v5;
	v0 =	vmul.f32 $1.131370830e+01, v0  }
0x45: {  	v5 =	vld [tilespmem:s5+$0xFFFFFF10];
	p1 =	slt.u32 s10, $0x7C;
	[tilespmem:s13+$0xA0] =	vst v6;
	v1 =	vmul.f32 $1.131370830e+01, v1  }
0x46: {  	v6 =	vld [tilespmem:s5+$0xFFFFFF20];
	[tilespmem:s13+$0xB0] =	vst v0;
	v0 =	vmul.f32 $1.131370830e+01, v3  }
0x47: {  	v3 =	vld [tilespmem:s5+$0xFFFFFF30];
	[tilespmem:s13+$0xC0] =	vst v1;
	v1 =	vmul.f32 $1.131370830e+01, v2  }
0x48: {  	v2 =	vld [tilespmem:s5+$0xFFFFFF40];
	v4 =	vmul.f32 $1.131370830e+01, v4;
	[tilespmem:s13+$0xD0] =	vst v0  }
0x49: {  	v0 =	vld [tilespmem:s5+$0xFFFFFF50];
	v7 =	vmul.f32 $1.131370830e+01, v7;
	[tilespmem:s13+$0xE0] =	vst v1  }
0x4a: {  	v1 =	vmul.f32 $1.131370830e+01, v5;
	v5 =	vld [tilespmem:s5+$0xFFFFFF60];
	[tilespmem:s13+$0xFFFFFF00] =	vst v4;
	s13 =	smov.u32 s5  }
0x4b: {  	v4 =	vmul.f32 $1.131370830e+01, v6;
	v6 =	vld [tilespmem:s5+$0xFFFFFF70];
	[tilespmem:s5+$0xF0] =	vst v7  }
0x4c: {  	[tilespmem:s5+$0xFFFFFF10] =	vst v1;
	v1 =	vmul.f32 $1.131370830e+01, v3;
	v3 =	vld [tilespmem:s5+$0xFFFFFF80]  }
0x4d: {  	[tilespmem:s5+$0xFFFFFF20] =	vst v4;
	v2 =	vmul.f32 $1.131370830e+01, v2;
	v4 =	vld [tilespmem:s5+$0xFFFFFF90]  }
0x4e: {  	[tilespmem:s5+$0xFFFFFF30] =	vst v1;
	v0 =	vmul.f32 $1.131370830e+01, v0;
	v1 =	vld [tilespmem:s5+$0xFFFFFFA0]  }
0x4f: {  	[tilespmem:s5+$0xFFFFFF40] =	vst v2;
	v2 =	vmul.f32 $1.131370830e+01, v5;
	v5 =	vld [tilespmem:s5+$0xFFFFFFB0]  }
0x50: {  	[tilespmem:s5+$0xFFFFFF50] =	vst v0;
	v0 =	vmul.f32 $1.131370830e+01, v6;
	v6 =	vld [tilespmem:s5+$0xFFFFFFC0]  }
0x51: {  	[tilespmem:s5+$0xFFFFFF60] =	vst v2;
	v2 =	vmul.f32 $1.131370830e+01, v3;
	v3 =	vld [tilespmem:s5+$0xFFFFFFD0]  }
0x52: {  	[tilespmem:s5+$0xFFFFFF70] =	vst v0;
	v0 =	vmul.f32 $1.131370830e+01, v4;
	v4 =	vld [tilespmem:s5+$0xFFFFFFE0]  }
0x53: {  	[tilespmem:s5+$0xFFFFFF80] =	vst v2;
	v1 =	vmul.f32 $1.131370830e+01, v1;
	v2 =	vld [tilespmem:s5+$0xFFFFFFF0]  }
0x54: {  	[tilespmem:s5+$0xFFFFFF90] =	vst v0;
	v0 =	vmul.f32 $1.131370830e+01, v5;
	v5 =	vld [tilespmem:s5+$0x0]  }
0x55: {  	[tilespmem:s5+$0xFFFFFFA0] =	vst v1;
	v1 =	vmul.f32 $1.131370830e+01, v6;
	v6 =	vld [tilespmem:s5+$0x10]  }
0x56: {  	[tilespmem:s5+$0xFFFFFFB0] =	vst v0;
	v0 =	vmul.f32 $1.131370830e+01, v3;
	v3 =	vld [tilespmem:s5+$0x20]  }
0x57: {  	[tilespmem:s5+$0xFFFFFFC0] =	vst v1;
	v1 =	vmul.f32 $1.131370830e+01, v4;
	v4 =	vld [tilespmem:s5+$0x30]  }
0x58: {  	[tilespmem:s5+$0xFFFFFFD0] =	vst v0;
	v0 =	vmul.f32 $1.131370830e+01, v2;
	v2 =	vld [tilespmem:s5+$0x40]  }
0x59: {  	[tilespmem:s5+$0xFFFFFFE0] =	vst v1;
	v1 =	vmul.f32 $1.131370830e+01, v5;
	v5 =	vld [tilespmem:s5+$0x50]  }
0x5a: {  	[tilespmem:s5+$0xFFFFFFF0] =	vst v0;
	v0 =	vmul.f32 $1.131370830e+01, v6;
	v6 =	vld [tilespmem:s5+$0x60]  }
0x5b: {  	[tilespmem:s5+$0x0] =	vst v1;
	v1 =	vmul.f32 $1.131370830e+01, v3;
	v3 =	vld [tilespmem:s5+$0x70]  }
0x5c: {  	[tilespmem:s5+$0x10] =	vst v0;
	v0 =	vmul.f32 $1.131370830e+01, v4;
	v4 =	vld [tilespmem:s5+$0x80]  }
0x5d: {  	[tilespmem:s5+$0x20] =	vst v1;
	v1 =	vmul.f32 $1.131370830e+01, v2;
	v2 =	vld [tilespmem:s5+$0x90]  }
0x5e: {  	[tilespmem:s5+$0x30] =	vst v0;
	v5 =	vmul.f32 $1.131370830e+01, v5;
	v7 =	vld [tilespmem:s5+$0xA0]  }
.Ltmp0:
0x5f: {  	[tilespmem:s5+$0x40] =	vst v1;
	v6 =	vmul.f32 $1.131370830e+01, v6;
	v0 =	vld [tilespmem:s5+$0xB0];
	(pc) =	sbr.rel @p1 .LBB2_3-.Ltmp0, $4  }
0x60: {  	[tilespmem:s5+$0x50] =	vst v5;
	v5 =	vmul.f32 $1.131370830e+01, v3;
	v1 =	vld [tilespmem:s5+$0xC0]  }
0x61: {  	[tilespmem:s5+$0x60] =	vst v6;
	v6 =	vmul.f32 $1.131370830e+01, v4;
	v3 =	vld [tilespmem:s5+$0xD0]  }
0x62: {  	[tilespmem:s5+$0x70] =	vst v5;
	v5 =	vmul.f32 $1.131370830e+01, v2;
	v2 =	vld [tilespmem:s5+$0xE0]  }
0x63: {  	s5 =	sadd.s32 $0x200, s5;
	v4 =	vld [tilespmem:s13+$0xFFFFFF00];
	[tilespmem:s13+$0x80] =	vst v6;
	v6 =	vmul.f32 $1.131370830e+01, v7  }
0x64: {  	[tilespmem:s13+$0x90] =	vst v5;
	v0 =	vmul.f32 $1.131370830e+01, v0  }
0x65: {  	[tilespmem:s13+$0xA0] =	vst v6;
	v1 =	vmul.f32 $1.131370830e+01, v1  }
0x66: {  	s18 =	smul.u32 $0x280000, s11;
	[tilespmem:s13+$0xB0] =	vst v0;
	v0 =	vmul.f32 $1.131370830e+01, v3  }
0x67: {  	[tilespmem:s13+$0xC0] =	vst v1;
	v1 =	vmul.f32 $1.131370830e+01, v2  }
0x68: {  	s5 =	sor.u32 s6, s18;
	v2 =	vmul.f32 $1.131370830e+01, v4;
	[tilespmem:s13+$0xD0] =	vst v0  }
0x69: {  	s5 =	sshrl.u32 s5, $0x3;
	[tilespmem:s13+$0xE0] =	vst v1  }
0x6a: {  	s5 =	sadd.s32 s3, s5;
	[tilespmem:s13+$0xFFFFFF00] =	vst v2  }
0x6b: {  	[hbm4b:s5+s4] =	stream.linear.scatter [tilespmem:s16], [sflag:$0x6], $0x4000, $0x38;
	[tilespmem:$0x15C00] =	vst v63  }
0x6c: {  	_ =	swait.ge [sflag:s22], $0x4000  }
0x6d: {  	[sflag:s22] =	ssyncset.done $0x0  }
0x6e: {  	s5 =	simm.s32 @!p0 $0xA;
	[sflag:s22] =	ssyncadd.s32 $0xFFFFC000  }
0x6f: {  	s13 =	sadd.s32 $0x4, s7;
	_ =	swait.ge @!p0 [sflag:s5], $0x4000  }
0x70: {  	s7 =	sshll.u32 s13, $0x7;
	[sflag:s5] =	ssyncset.done @!p0 $0x0  }
0x71: {  	s14 =	sand.u32 $0x3FFFFF80, s7;
	s7 =	simm.s32 $0x5D00;
	[sflag:s5] =	ssyncadd.s32 @!p0 $0xFFFFC000  }
0x72: {  	[tilespmem:s23], [sflag:$0x5] =	stream.indirect.gather [hbm4b:s1+s15], $0x80, s14, s15, $0xb8;
	[tilespmem:$0x15C00] =	vst v63  }
0x73: {  	v0 =	vld [tilespmem:s7+$0xF0]  }
0x74: {  	v1 =	vld [tilespmem:s7+$0xFFFFFF10]  }
0x75: {  	v2 =	vld [tilespmem:s7+$0xFFFFFF20]  }
0x76: {  	v3 =	vld [tilespmem:s7+$0xFFFFFF30]  }
0x77: {  	v6 =	vld [tilespmem:s7+$0xFFFFFF60]  }
0x78: {  	v4 =	vld [tilespmem:s7+$0xFFFFFF40]  }
0x79: {  	v5 =	vld [tilespmem:s7+$0xFFFFFF50];
	v0 =	vmul.f32 $1.131370830e+01, v0  }
0x7a: {  	v8 =	vld [tilespmem:s7+$0xFFFFFF80];
	v1 =	vmul.f32 $1.131370830e+01, v1  }
0x7b: {  	v7 =	vld [tilespmem:s7+$0xFFFFFF70];
	v2 =	vmul.f32 $1.131370830e+01, v2;
	[tilespmem:s7+$0xF0] =	vst v0  }
0x7c: {  	v6 =	vmul.f32 $1.131370830e+01, v6;
	v0 =	vld [tilespmem:s7+$0xFFFFFF90];
	[tilespmem:s7+$0xFFFFFF10] =	vst v1  }
0x7d: {  	v1 =	vmul.f32 $1.131370830e+01, v3;
	v3 =	vld [tilespmem:s7+$0xFFFFFFA0];
	[tilespmem:s7+$0xFFFFFF20] =	vst v2;
	v2 =	vmul.f32 $1.131370830e+01, v4  }
0x7e: {  	[tilespmem:s7+$0xFFFFFF60] =	vst v6;
	v6 =	vld [tilespmem:s7+$0xFFFFFFF0]  }
0x7f: {  	v4 =	vld [tilespmem:s7+$0xFFFFFFB0];
	[tilespmem:s7+$0xFFFFFF40] =	vst v2;
	v2 =	vmul.f32 $1.131370830e+01, v8  }
0x80: {  	[tilespmem:s7+$0xFFFFFF30] =	vst v1;
	v1 =	vmul.f32 $1.131370830e+01, v5;
	v5 =	vld [tilespmem:s7+$0xFFFFFFC0]  }
0x81: {  	v8 =	vld [tilespmem:s7+$0xFFFFFFD0];
	[tilespmem:s7+$0xFFFFFF80] =	vst v2;
	v2 =	vmul.f32 $1.131370830e+01, v7  }
0x82: {  	[tilespmem:s7+$0xFFFFFF50] =	vst v1;
	v1 =	vld [tilespmem:s7+$0xFFFFFFE0];
	v0 =	vmul.f32 $1.131370830e+01, v0  }
0x83: {  	v7 =	vld [tilespmem:s7+$0x30];
	v6 =	vmul.f32 $1.131370830e+01, v6;
	[tilespmem:s7+$0xFFFFFF70] =	vst v2  }
0x84: {  	v2 =	vmul.f32 $1.131370830e+01, v3;
	v3 =	vld [tilespmem:s7+$0x0];
	[tilespmem:s7+$0xFFFFFF90] =	vst v0  }
0x85: {  	v0 =	vmul.f32 $1.131370830e+01, v4;
	v4 =	vld [tilespmem:s7+$0x10];
	[tilespmem:s7+$0xFFFFFFF0] =	vst v6  }
0x86: {  	[tilespmem:s7+$0xFFFFFFA0] =	vst v2;
	v2 =	vmul.f32 $1.131370830e+01, v5;
	v5 =	vld [tilespmem:s7+$0x20]  }
0x87: {  	v6 =	vld [tilespmem:s7+$0x80];
	[tilespmem:s7+$0xFFFFFFB0] =	vst v0;
	v0 =	vmul.f32 $1.131370830e+01, v8  }
0x88: {  	v1 =	vmul.f32 $1.131370830e+01, v1;
	[tilespmem:s7+$0xFFFFFFC0] =	vst v2;
	v2 =	vld [tilespmem:s7+$0x40]  }
0x89: {  	[tilespmem:s7+$0xFFFFFFD0] =	vst v0;
	v0 =	vmul.f32 $1.131370830e+01, v3  }
0x8a: {  	v3 =	vld [tilespmem:s7+$0x50];
	[tilespmem:s7+$0xFFFFFFE0] =	vst v1;
	v4 =	vmul.f32 $1.131370830e+01, v4  }
0x8b: {  	v1 =	vld [tilespmem:s7+$0x60];
	[tilespmem:s7+$0x0] =	vst v0;
	v0 =	vmul.f32 $1.131370830e+01, v5  }
0x8c: {  	v6 =	vmul.f32 $1.131370830e+01, v6;
	v5 =	vld [tilespmem:s7+$0x70];
	[tilespmem:s7+$0x10] =	vst v4  }
0x8d: {  	v4 =	vmul.f32 $1.131370830e+01, v7;
	v7 =	vld [tilespmem:s7+$0x90];
	[tilespmem:s7+$0x20] =	vst v0;
	v0 =	vmul.f32 $1.131370830e+01, v2  }
0x8e: {  	v8 =	vld [tilespmem:s7+$0xA0];
	[tilespmem:s7+$0x80] =	vst v6  }
0x8f: {  	v2 =	vmul.f32 $1.131370830e+01, v3;
	[tilespmem:s7+$0x40] =	vst v0;
	v0 =	vld [tilespmem:s7+$0xB0]  }
0x90: {  	[tilespmem:s7+$0x30] =	vst v4;
	v3 =	vmul.f32 $1.131370830e+01, v1;
	v1 =	vld [tilespmem:s7+$0xC0]  }
0x91: {  	[tilespmem:s7+$0x50] =	vst v2;
	v4 =	vmul.f32 $1.131370830e+01, v5;
	v2 =	vld [tilespmem:s7+$0xD0]  }
0x92: {  	[tilespmem:s7+$0x60] =	vst v3;
	v3 =	vld [tilespmem:s7+$0xE0];
	v5 =	vmul.f32 $1.131370830e+01, v7  }
0x93: {  	s10 =	simm.s32 $0x0;
	s5 =	simm.s32 $0x5F00;
	v6 =	vmul.f32 $1.131370830e+01, v8;
	[tilespmem:s7+$0x70] =	vst v4;
	v4 =	vld [tilespmem:s7+$0xFFFFFF00]  }
.LBB2_5:
0x94: {  	v7 =	vld [tilespmem:s5+$0xF0];
	s10 =	sadd.s32 $0x4, s10;
	[tilespmem:s7+$0x90] =	vst v5;
	v0 =	vmul.f32 $1.131370830e+01, v0  }
0x95: {  	v5 =	vld [tilespmem:s5+$0xFFFFFF10];
	p0 =	slt.u32 s10, $0x7C;
	[tilespmem:s7+$0xA0] =	vst v6;
	v1 =	vmul.f32 $1.131370830e+01, v1  }
0x96: {  	v6 =	vld [tilespmem:s5+$0xFFFFFF20];
	[tilespmem:s7+$0xB0] =	vst v0;
	v0 =	vmul.f32 $1.131370830e+01, v2  }
0x97: {  	v2 =	vld [tilespmem:s5+$0xFFFFFF30];
	[tilespmem:s7+$0xC0] =	vst v1;
	v1 =	vmul.f32 $1.131370830e+01, v3  }
0x98: {  	v3 =	vld [tilespmem:s5+$0xFFFFFF40];
	v4 =	vmul.f32 $1.131370830e+01, v4;
	[tilespmem:s7+$0xD0] =	vst v0  }
0x99: {  	v0 =	vld [tilespmem:s5+$0xFFFFFF50];
	v7 =	vmul.f32 $1.131370830e+01, v7;
	[tilespmem:s7+$0xE0] =	vst v1  }
0x9a: {  	v1 =	vmul.f32 $1.131370830e+01, v5;
	v5 =	vld [tilespmem:s5+$0xFFFFFF60];
	[tilespmem:s7+$0xFFFFFF00] =	vst v4;
	s7 =	smov.u32 s5  }
0x9b: {  	v4 =	vmul.f32 $1.131370830e+01, v6;
	v6 =	vld [tilespmem:s5+$0xFFFFFF70];
	[tilespmem:s5+$0xF0] =	vst v7  }
0x9c: {  	[tilespmem:s5+$0xFFFFFF10] =	vst v1;
	v1 =	vmul.f32 $1.131370830e+01, v2;
	v2 =	vld [tilespmem:s5+$0xFFFFFF80]  }
0x9d: {  	[tilespmem:s5+$0xFFFFFF20] =	vst v4;
	v3 =	vmul.f32 $1.131370830e+01, v3;
	v4 =	vld [tilespmem:s5+$0xFFFFFF90]  }
0x9e: {  	[tilespmem:s5+$0xFFFFFF30] =	vst v1;
	v0 =	vmul.f32 $1.131370830e+01, v0;
	v1 =	vld [tilespmem:s5+$0xFFFFFFA0]  }
0x9f: {  	[tilespmem:s5+$0xFFFFFF40] =	vst v3;
	v3 =	vmul.f32 $1.131370830e+01, v5;
	v5 =	vld [tilespmem:s5+$0xFFFFFFB0]  }
0xa0: {  	[tilespmem:s5+$0xFFFFFF50] =	vst v0;
	v0 =	vmul.f32 $1.131370830e+01, v6;
	v6 =	vld [tilespmem:s5+$0xFFFFFFC0]  }
0xa1: {  	[tilespmem:s5+$0xFFFFFF60] =	vst v3;
	v2 =	vmul.f32 $1.131370830e+01, v2;
	v3 =	vld [tilespmem:s5+$0xFFFFFFD0]  }
0xa2: {  	[tilespmem:s5+$0xFFFFFF70] =	vst v0;
	v0 =	vmul.f32 $1.131370830e+01, v4;
	v4 =	vld [tilespmem:s5+$0xFFFFFFE0]  }
0xa3: {  	[tilespmem:s5+$0xFFFFFF80] =	vst v2;
	v1 =	vmul.f32 $1.131370830e+01, v1;
	v2 =	vld [tilespmem:s5+$0xFFFFFFF0]  }
0xa4: {  	[tilespmem:s5+$0xFFFFFF90] =	vst v0;
	v0 =	vmul.f32 $1.131370830e+01, v5;
	v5 =	vld [tilespmem:s5+$0x0]  }
0xa5: {  	[tilespmem:s5+$0xFFFFFFA0] =	vst v1;
	v1 =	vmul.f32 $1.131370830e+01, v6;
	v6 =	vld [tilespmem:s5+$0x10]  }
0xa6: {  	[tilespmem:s5+$0xFFFFFFB0] =	vst v0;
	v0 =	vmul.f32 $1.131370830e+01, v3;
	v3 =	vld [tilespmem:s5+$0x20]  }
0xa7: {  	[tilespmem:s5+$0xFFFFFFC0] =	vst v1;
	v1 =	vmul.f32 $1.131370830e+01, v4;
	v4 =	vld [tilespmem:s5+$0x30]  }
0xa8: {  	[tilespmem:s5+$0xFFFFFFD0] =	vst v0;
	v0 =	vmul.f32 $1.131370830e+01, v2;
	v2 =	vld [tilespmem:s5+$0x40]  }
0xa9: {  	[tilespmem:s5+$0xFFFFFFE0] =	vst v1;
	v1 =	vmul.f32 $1.131370830e+01, v5;
	v5 =	vld [tilespmem:s5+$0x50]  }
0xaa: {  	[tilespmem:s5+$0xFFFFFFF0] =	vst v0;
	v0 =	vmul.f32 $1.131370830e+01, v6;
	v6 =	vld [tilespmem:s5+$0x60]  }
0xab: {  	[tilespmem:s5+$0x0] =	vst v1;
	v1 =	vmul.f32 $1.131370830e+01, v3;
	v3 =	vld [tilespmem:s5+$0x70]  }
0xac: {  	[tilespmem:s5+$0x10] =	vst v0;
	v0 =	vmul.f32 $1.131370830e+01, v4;
	v4 =	vld [tilespmem:s5+$0x80]  }
0xad: {  	[tilespmem:s5+$0x20] =	vst v1;
	v1 =	vmul.f32 $1.131370830e+01, v2;
	v7 =	vld [tilespmem:s5+$0x90]  }
0xae: {  	[tilespmem:s5+$0x30] =	vst v0;
	v2 =	vmul.f32 $1.131370830e+01, v5;
	v8 =	vld [tilespmem:s5+$0xA0]  }
.Ltmp1:
0xaf: {  	[tilespmem:s5+$0x40] =	vst v1;
	v5 =	vmul.f32 $1.131370830e+01, v6;
	v0 =	vld [tilespmem:s5+$0xB0];
	(pc) =	sbr.rel @p0 .LBB2_5-.Ltmp1, $4  }
0xb0: {  	[tilespmem:s5+$0x50] =	vst v2;
	v3 =	vmul.f32 $1.131370830e+01, v3;
	v1 =	vld [tilespmem:s5+$0xC0]  }
0xb1: {  	[tilespmem:s5+$0x60] =	vst v5;
	v6 =	vmul.f32 $1.131370830e+01, v4;
	v2 =	vld [tilespmem:s5+$0xD0]  }
0xb2: {  	[tilespmem:s5+$0x70] =	vst v3;
	v5 =	vmul.f32 $1.131370830e+01, v7;
	v3 =	vld [tilespmem:s5+$0xE0]  }
0xb3: {  	s5 =	sadd.s32 $0x200, s5;
	v4 =	vld [tilespmem:s7+$0xFFFFFF00];
	[tilespmem:s7+$0x80] =	vst v6;
	v6 =	vmul.f32 $1.131370830e+01, v8  }
0xb4: {  	[tilespmem:s7+$0x90] =	vst v5;
	v0 =	vmul.f32 $1.131370830e+01, v0  }
0xb5: {  	[tilespmem:s7+$0xA0] =	vst v6;
	v1 =	vmul.f32 $1.131370830e+01, v1  }
0xb6: {  	[tilespmem:s7+$0xB0] =	vst v0;
	v0 =	vmul.f32 $1.131370830e+01, v2  }
0xb7: {  	[tilespmem:s7+$0xC0] =	vst v1;
	v1 =	vmul.f32 $1.131370830e+01, v3  }
0xb8: {  	s5 =	sadd.s32 s8, s18;
	v2 =	vmul.f32 $1.131370830e+01, v4;
	[tilespmem:s7+$0xD0] =	vst v0  }
0xb9: {  	s5 =	sshrl.u32 s5, $0x3;
	[tilespmem:s7+$0xE0] =	vst v1  }
0xba: {  	s5 =	sadd.s32 s3, s5;
	[tilespmem:s7+$0xFFFFFF00] =	vst v2  }
0xbb: {  	[hbm4b:s5+s4] =	stream.linear.scatter [tilespmem:s17], [sflag:$0x7], $0x4000, $0x38;
	[tilespmem:$0x15C00] =	vst v63  }
0xbc: {  	_ =	swait.ge [sflag:s24], $0x4000  }
0xbd: {  	p0 =	seq.s32 s11, $0x9;
	[sflag:s24] =	ssyncset.done $0x0  }
0xbe: {  	s5 =	smul.u32 @!p0 $0xA00, s11;
	[sflag:s24] =	ssyncadd.s32 $0xFFFFC000  }
0xbf: {  	_ =	swait.ge [sflag:s25], $0x4000  }
0xc0: {  	s10 =	simm.s32 @!p0 $0x80;
	s7 =	sshra.s32 @!p0 s5, $0x2;
	[sflag:s25] =	ssyncset.done $0x0  }
0xc1: {  	s14 =	simm.s32 @!p0 $0x1C00;
	s5 =	sadd.s32 @!p0 $0x280, s7;
	[sflag:s25] =	ssyncadd.s32 $0xFFFFC000  }
0xc2: {  	[tilespmem:s14], [sflag:$0x1] =	stream.indirect.gather @!p0 [hbm4b:s1+s10], $0x80, s5, s10, $0xb8;
	[tilespmem:$0x15C00] =	vst v63  }
0xc3: {  	s10 =	simm.s32 $0x9D00  }
0xc4: {  	v0 =	vld [tilespmem:s10+$0xF0]  }
0xc5: {  	v1 =	vld [tilespmem:s10+$0xFFFFFF10]  }
0xc6: {  	v2 =	vld [tilespmem:s10+$0xFFFFFF20]  }
0xc7: {  	v3 =	vld [tilespmem:s10+$0xFFFFFF30]  }
0xc8: {  	v6 =	vld [tilespmem:s10+$0xFFFFFF60]  }
0xc9: {  	v4 =	vld [tilespmem:s10+$0xFFFFFF40]  }
0xca: {  	v5 =	vld [tilespmem:s10+$0xFFFFFF50];
	v0 =	vmul.f32 $1.131370830e+01, v0  }
0xcb: {  	v8 =	vld [tilespmem:s10+$0xFFFFFF80];
	v1 =	vmul.f32 $1.131370830e+01, v1  }
0xcc: {  	v7 =	vld [tilespmem:s10+$0xFFFFFF70];
	v2 =	vmul.f32 $1.131370830e+01, v2;
	[tilespmem:s10+$0xF0] =	vst v0  }
0xcd: {  	v6 =	vmul.f32 $1.131370830e+01, v6;
	v0 =	vld [tilespmem:s10+$0xFFFFFF90];
	[tilespmem:s10+$0xFFFFFF10] =	vst v1  }
0xce: {  	v1 =	vmul.f32 $1.131370830e+01, v3;
	v3 =	vld [tilespmem:s10+$0xFFFFFFA0];
	[tilespmem:s10+$0xFFFFFF20] =	vst v2;
	v2 =	vmul.f32 $1.131370830e+01, v4  }
0xcf: {  	[tilespmem:s10+$0xFFFFFF60] =	vst v6;
	v6 =	vld [tilespmem:s10+$0xFFFFFFF0]  }
0xd0: {  	v4 =	vld [tilespmem:s10+$0xFFFFFFB0];
	[tilespmem:s10+$0xFFFFFF40] =	vst v2;
	v2 =	vmul.f32 $1.131370830e+01, v8  }
0xd1: {  	[tilespmem:s10+$0xFFFFFF30] =	vst v1;
	v1 =	vmul.f32 $1.131370830e+01, v5;
	v5 =	vld [tilespmem:s10+$0xFFFFFFC0]  }
0xd2: {  	v8 =	vld [tilespmem:s10+$0xFFFFFFD0];
	[tilespmem:s10+$0xFFFFFF80] =	vst v2;
	v2 =	vmul.f32 $1.131370830e+01, v7  }
0xd3: {  	[tilespmem:s10+$0xFFFFFF50] =	vst v1;
	v1 =	vld [tilespmem:s10+$0xFFFFFFE0];
	v0 =	vmul.f32 $1.131370830e+01, v0  }
0xd4: {  	v7 =	vld [tilespmem:s10+$0x30];
	v6 =	vmul.f32 $1.131370830e+01, v6;
	[tilespmem:s10+$0xFFFFFF70] =	vst v2  }
0xd5: {  	v2 =	vmul.f32 $1.131370830e+01, v3;
	v3 =	vld [tilespmem:s10+$0x0];
	[tilespmem:s10+$0xFFFFFF90] =	vst v0  }
0xd6: {  	v0 =	vmul.f32 $1.131370830e+01, v4;
	v4 =	vld [tilespmem:s10+$0x10];
	[tilespmem:s10+$0xFFFFFFF0] =	vst v6  }
0xd7: {  	[tilespmem:s10+$0xFFFFFFA0] =	vst v2;
	v2 =	vmul.f32 $1.131370830e+01, v5;
	v5 =	vld [tilespmem:s10+$0x20]  }
0xd8: {  	v6 =	vld [tilespmem:s10+$0x80];
	[tilespmem:s10+$0xFFFFFFB0] =	vst v0;
	v0 =	vmul.f32 $1.131370830e+01, v8  }
0xd9: {  	v1 =	vmul.f32 $1.131370830e+01, v1;
	[tilespmem:s10+$0xFFFFFFC0] =	vst v2;
	v2 =	vld [tilespmem:s10+$0x40]  }
0xda: {  	[tilespmem:s10+$0xFFFFFFD0] =	vst v0;
	v0 =	vmul.f32 $1.131370830e+01, v3  }
0xdb: {  	v3 =	vld [tilespmem:s10+$0x50];
	[tilespmem:s10+$0xFFFFFFE0] =	vst v1;
	v4 =	vmul.f32 $1.131370830e+01, v4  }
0xdc: {  	v1 =	vld [tilespmem:s10+$0x60];
	[tilespmem:s10+$0x0] =	vst v0;
	v0 =	vmul.f32 $1.131370830e+01, v5  }
0xdd: {  	v6 =	vmul.f32 $1.131370830e+01, v6;
	v5 =	vld [tilespmem:s10+$0x70];
	[tilespmem:s10+$0x10] =	vst v4  }
0xde: {  	v4 =	vmul.f32 $1.131370830e+01, v7;
	v7 =	vld [tilespmem:s10+$0x90];
	[tilespmem:s10+$0x20] =	vst v0;
	v0 =	vmul.f32 $1.131370830e+01, v2  }
0xdf: {  	v8 =	vld [tilespmem:s10+$0xA0];
	[tilespmem:s10+$0x80] =	vst v6  }
0xe0: {  	v2 =	vmul.f32 $1.131370830e+01, v3;
	[tilespmem:s10+$0x40] =	vst v0;
	v0 =	vld [tilespmem:s10+$0xB0]  }
0xe1: {  	[tilespmem:s10+$0x30] =	vst v4;
	v3 =	vmul.f32 $1.131370830e+01, v1;
	v1 =	vld [tilespmem:s10+$0xC0]  }
0xe2: {  	[tilespmem:s10+$0x50] =	vst v2;
	v4 =	vmul.f32 $1.131370830e+01, v5;
	v2 =	vld [tilespmem:s10+$0xD0]  }
0xe3: {  	[tilespmem:s10+$0x60] =	vst v3;
	v3 =	vld [tilespmem:s10+$0xE0];
	v5 =	vmul.f32 $1.131370830e+01, v7  }
0xe4: {  	s5 =	simm.s32 $0x0;
	s14 =	simm.s32 $0x9F00;
	v6 =	vmul.f32 $1.131370830e+01, v8;
	[tilespmem:s10+$0x70] =	vst v4;
	v4 =	vld [tilespmem:s10+$0xFFFFFF00]  }
.LBB2_7:
0xe5: {  	v7 =	vld [tilespmem:s14+$0xF0];
	s5 =	sadd.s32 $0x4, s5;
	[tilespmem:s10+$0x90] =	vst v5;
	v0 =	vmul.f32 $1.131370830e+01, v0  }
0xe6: {  	v5 =	vld [tilespmem:s14+$0xFFFFFF10];
	p1 =	slt.u32 s5, $0x7C;
	[tilespmem:s10+$0xA0] =	vst v6;
	v1 =	vmul.f32 $1.131370830e+01, v1  }
0xe7: {  	v6 =	vld [tilespmem:s14+$0xFFFFFF20];
	[tilespmem:s10+$0xB0] =	vst v0;
	v0 =	vmul.f32 $1.131370830e+01, v2  }
0xe8: {  	v2 =	vld [tilespmem:s14+$0xFFFFFF30];
	[tilespmem:s10+$0xC0] =	vst v1;
	v1 =	vmul.f32 $1.131370830e+01, v3  }
0xe9: {  	v3 =	vld [tilespmem:s14+$0xFFFFFF40];
	v4 =	vmul.f32 $1.131370830e+01, v4;
	[tilespmem:s10+$0xD0] =	vst v0  }
0xea: {  	v0 =	vld [tilespmem:s14+$0xFFFFFF50];
	v7 =	vmul.f32 $1.131370830e+01, v7;
	[tilespmem:s10+$0xE0] =	vst v1  }
0xeb: {  	v1 =	vmul.f32 $1.131370830e+01, v5;
	v5 =	vld [tilespmem:s14+$0xFFFFFF60];
	[tilespmem:s10+$0xFFFFFF00] =	vst v4;
	s10 =	smov.u32 s14  }
0xec: {  	v4 =	vmul.f32 $1.131370830e+01, v6;
	v6 =	vld [tilespmem:s14+$0xFFFFFF70];
	[tilespmem:s14+$0xF0] =	vst v7  }
0xed: {  	[tilespmem:s14+$0xFFFFFF10] =	vst v1;
	v1 =	vmul.f32 $1.131370830e+01, v2;
	v2 =	vld [tilespmem:s14+$0xFFFFFF80]  }
0xee: {  	[tilespmem:s14+$0xFFFFFF20] =	vst v4;
	v3 =	vmul.f32 $1.131370830e+01, v3;
	v4 =	vld [tilespmem:s14+$0xFFFFFF90]  }
0xef: {  	[tilespmem:s14+$0xFFFFFF30] =	vst v1;
	v0 =	vmul.f32 $1.131370830e+01, v0;
	v1 =	vld [tilespmem:s14+$0xFFFFFFA0]  }
0xf0: {  	[tilespmem:s14+$0xFFFFFF40] =	vst v3;
	v3 =	vmul.f32 $1.131370830e+01, v5;
	v5 =	vld [tilespmem:s14+$0xFFFFFFB0]  }
0xf1: {  	[tilespmem:s14+$0xFFFFFF50] =	vst v0;
	v0 =	vmul.f32 $1.131370830e+01, v6;
	v6 =	vld [tilespmem:s14+$0xFFFFFFC0]  }
0xf2: {  	[tilespmem:s14+$0xFFFFFF60] =	vst v3;
	v2 =	vmul.f32 $1.131370830e+01, v2;
	v3 =	vld [tilespmem:s14+$0xFFFFFFD0]  }
0xf3: {  	[tilespmem:s14+$0xFFFFFF70] =	vst v0;
	v0 =	vmul.f32 $1.131370830e+01, v4;
	v4 =	vld [tilespmem:s14+$0xFFFFFFE0]  }
0xf4: {  	[tilespmem:s14+$0xFFFFFF80] =	vst v2;
	v1 =	vmul.f32 $1.131370830e+01, v1;
	v2 =	vld [tilespmem:s14+$0xFFFFFFF0]  }
0xf5: {  	[tilespmem:s14+$0xFFFFFF90] =	vst v0;
	v0 =	vmul.f32 $1.131370830e+01, v5;
	v5 =	vld [tilespmem:s14+$0x0]  }
0xf6: {  	[tilespmem:s14+$0xFFFFFFA0] =	vst v1;
	v1 =	vmul.f32 $1.131370830e+01, v6;
	v6 =	vld [tilespmem:s14+$0x10]  }
0xf7: {  	[tilespmem:s14+$0xFFFFFFB0] =	vst v0;
	v0 =	vmul.f32 $1.131370830e+01, v3;
	v3 =	vld [tilespmem:s14+$0x20]  }
0xf8: {  	[tilespmem:s14+$0xFFFFFFC0] =	vst v1;
	v1 =	vmul.f32 $1.131370830e+01, v4;
	v4 =	vld [tilespmem:s14+$0x30]  }
0xf9: {  	[tilespmem:s14+$0xFFFFFFD0] =	vst v0;
	v0 =	vmul.f32 $1.131370830e+01, v2;
	v2 =	vld [tilespmem:s14+$0x40]  }
0xfa: {  	[tilespmem:s14+$0xFFFFFFE0] =	vst v1;
	v1 =	vmul.f32 $1.131370830e+01, v5;
	v5 =	vld [tilespmem:s14+$0x50]  }
0xfb: {  	[tilespmem:s14+$0xFFFFFFF0] =	vst v0;
	v0 =	vmul.f32 $1.131370830e+01, v6;
	v6 =	vld [tilespmem:s14+$0x60]  }
0xfc: {  	[tilespmem:s14+$0x0] =	vst v1;
	v1 =	vmul.f32 $1.131370830e+01, v3;
	v3 =	vld [tilespmem:s14+$0x70]  }
0xfd: {  	[tilespmem:s14+$0x10] =	vst v0;
	v0 =	vmul.f32 $1.131370830e+01, v4;
	v4 =	vld [tilespmem:s14+$0x80]  }
0xfe: {  	[tilespmem:s14+$0x20] =	vst v1;
	v1 =	vmul.f32 $1.131370830e+01, v2;
	v7 =	vld [tilespmem:s14+$0x90]  }
0xff: {  	[tilespmem:s14+$0x30] =	vst v0;
	v2 =	vmul.f32 $1.131370830e+01, v5;
	v8 =	vld [tilespmem:s14+$0xA0]  }
.Ltmp2:
0x100: {  	[tilespmem:s14+$0x40] =	vst v1;
	v5 =	vmul.f32 $1.131370830e+01, v6;
	v0 =	vld [tilespmem:s14+$0xB0];
	(pc) =	sbr.rel @p1 .LBB2_7-.Ltmp2, $4  }
0x101: {  	[tilespmem:s14+$0x50] =	vst v2;
	v3 =	vmul.f32 $1.131370830e+01, v3;
	v1 =	vld [tilespmem:s14+$0xC0]  }
0x102: {  	[tilespmem:s14+$0x60] =	vst v5;
	v6 =	vmul.f32 $1.131370830e+01, v4;
	v2 =	vld [tilespmem:s14+$0xD0]  }
0x103: {  	[tilespmem:s14+$0x70] =	vst v3;
	v5 =	vmul.f32 $1.131370830e+01, v7;
	v3 =	vld [tilespmem:s14+$0xE0]  }
0x104: {  	s14 =	sadd.s32 $0x200, s14;
	v4 =	vld [tilespmem:s10+$0xFFFFFF00];
	[tilespmem:s10+$0x80] =	vst v6;
	v6 =	vmul.f32 $1.131370830e+01, v8  }
0x105: {  	[tilespmem:s10+$0x90] =	vst v5;
	v0 =	vmul.f32 $1.131370830e+01, v0  }
0x106: {  	[tilespmem:s10+$0xA0] =	vst v6;
	v1 =	vmul.f32 $1.131370830e+01, v1  }
0x107: {  	[tilespmem:s10+$0xB0] =	vst v0;
	v0 =	vmul.f32 $1.131370830e+01, v2  }
0x108: {  	[tilespmem:s10+$0xC0] =	vst v1;
	v1 =	vmul.f32 $1.131370830e+01, v3  }
0x109: {  	s5 =	sadd.s32 s9, s18;
	v2 =	vmul.f32 $1.131370830e+01, v4;
	[tilespmem:s10+$0xD0] =	vst v0  }
0x10a: {  	s5 =	sshrl.u32 s5, $0x3;
	[tilespmem:s10+$0xE0] =	vst v1  }
0x10b: {  	s5 =	sadd.s32 s3, s5;
	[tilespmem:s10+$0xFFFFFF00] =	vst v2  }
0x10c: {  	[hbm4b:s5+s4] =	stream.linear.scatter [tilespmem:s19], [sflag:$0x8], $0x4000, $0x38;
	[tilespmem:$0x15C00] =	vst v63  }
0x10d: {  	_ =	swait.ge [sflag:s26], $0x4000  }
0x10e: {  	[sflag:s26] =	ssyncset.done $0x0  }
0x10f: {  	[sflag:s26] =	ssyncadd.s32 $0xFFFFC000  }
0x110: {  	_ =	swait.ge [sflag:s28], $0x4000  }
0x111: {  	s14 =	simm.s32 @!p0 $0x5C00;
	s18 =	simm.s32 $0xDD00;
	[sflag:s28] =	ssyncset.done $0x0  }
0x112: {  	s10 =	simm.s32 @!p0 $0x80;
	s5 =	sadd.s32 @!p0 $0x300, s7;
	[sflag:s28] =	ssyncadd.s32 $0xFFFFC000  }
0x113: {  	[tilespmem:s14], [sflag:$0x2] =	stream.indirect.gather @!p0 [hbm4b:s1+s10], $0x80, s5, s10, $0xb8;
	[tilespmem:$0x15C00] =	vst v63  }
0x114: {  	v0 =	vld [tilespmem:s18+$0xF0]  }
0x115: {  	v1 =	vld [tilespmem:s18+$0xFFFFFF10]  }
0x116: {  	v2 =	vld [tilespmem:s18+$0xFFFFFF20]  }
0x117: {  	v3 =	vld [tilespmem:s18+$0xFFFFFF30]  }
0x118: {  	v6 =	vld [tilespmem:s18+$0xFFFFFF60]  }
0x119: {  	v4 =	vld [tilespmem:s18+$0xFFFFFF40]  }
0x11a: {  	v5 =	vld [tilespmem:s18+$0xFFFFFF50];
	v0 =	vmul.f32 $1.131370830e+01, v0  }
0x11b: {  	v8 =	vld [tilespmem:s18+$0xFFFFFF80];
	v1 =	vmul.f32 $1.131370830e+01, v1  }
0x11c: {  	v7 =	vld [tilespmem:s18+$0xFFFFFF70];
	v2 =	vmul.f32 $1.131370830e+01, v2;
	[tilespmem:s18+$0xF0] =	vst v0  }
0x11d: {  	v6 =	vmul.f32 $1.131370830e+01, v6;
	v0 =	vld [tilespmem:s18+$0xFFFFFF90];
	[tilespmem:s18+$0xFFFFFF10] =	vst v1  }
0x11e: {  	v1 =	vmul.f32 $1.131370830e+01, v3;
	v3 =	vld [tilespmem:s18+$0xFFFFFFA0];
	[tilespmem:s18+$0xFFFFFF20] =	vst v2;
	v2 =	vmul.f32 $1.131370830e+01, v4  }
0x11f: {  	[tilespmem:s18+$0xFFFFFF60] =	vst v6;
	v6 =	vld [tilespmem:s18+$0xFFFFFFF0]  }
0x120: {  	v4 =	vld [tilespmem:s18+$0xFFFFFFB0];
	[tilespmem:s18+$0xFFFFFF40] =	vst v2;
	v2 =	vmul.f32 $1.131370830e+01, v8  }
0x121: {  	[tilespmem:s18+$0xFFFFFF30] =	vst v1;
	v1 =	vmul.f32 $1.131370830e+01, v5;
	v5 =	vld [tilespmem:s18+$0xFFFFFFC0]  }
0x122: {  	v8 =	vld [tilespmem:s18+$0xFFFFFFD0];
	[tilespmem:s18+$0xFFFFFF80] =	vst v2;
	v2 =	vmul.f32 $1.131370830e+01, v7  }
0x123: {  	[tilespmem:s18+$0xFFFFFF50] =	vst v1;
	v1 =	vld [tilespmem:s18+$0xFFFFFFE0];
	v0 =	vmul.f32 $1.131370830e+01, v0  }
0x124: {  	v7 =	vld [tilespmem:s18+$0x30];
	v6 =	vmul.f32 $1.131370830e+01, v6;
	[tilespmem:s18+$0xFFFFFF70] =	vst v2  }
0x125: {  	v2 =	vmul.f32 $1.131370830e+01, v3;
	v3 =	vld [tilespmem:s18+$0x0];
	[tilespmem:s18+$0xFFFFFF90] =	vst v0  }
0x126: {  	v0 =	vmul.f32 $1.131370830e+01, v4;
	v4 =	vld [tilespmem:s18+$0x10];
	[tilespmem:s18+$0xFFFFFFF0] =	vst v6  }
0x127: {  	[tilespmem:s18+$0xFFFFFFA0] =	vst v2;
	v2 =	vmul.f32 $1.131370830e+01, v5;
	v5 =	vld [tilespmem:s18+$0x20]  }
0x128: {  	v6 =	vld [tilespmem:s18+$0x80];
	[tilespmem:s18+$0xFFFFFFB0] =	vst v0;
	v0 =	vmul.f32 $1.131370830e+01, v8  }
0x129: {  	v1 =	vmul.f32 $1.131370830e+01, v1;
	[tilespmem:s18+$0xFFFFFFC0] =	vst v2;
	v2 =	vld [tilespmem:s18+$0x40]  }
0x12a: {  	[tilespmem:s18+$0xFFFFFFD0] =	vst v0;
	v0 =	vmul.f32 $1.131370830e+01, v3  }
0x12b: {  	v3 =	vld [tilespmem:s18+$0x50];
	[tilespmem:s18+$0xFFFFFFE0] =	vst v1;
	v4 =	vmul.f32 $1.131370830e+01, v4  }
0x12c: {  	v1 =	vld [tilespmem:s18+$0x60];
	[tilespmem:s18+$0x0] =	vst v0;
	v0 =	vmul.f32 $1.131370830e+01, v5  }
0x12d: {  	v6 =	vmul.f32 $1.131370830e+01, v6;
	v5 =	vld [tilespmem:s18+$0x70];
	[tilespmem:s18+$0x10] =	vst v4  }
0x12e: {  	v4 =	vmul.f32 $1.131370830e+01, v7;
	v7 =	vld [tilespmem:s18+$0x90];
	[tilespmem:s18+$0x20] =	vst v0;
	v0 =	vmul.f32 $1.131370830e+01, v2  }
0x12f: {  	v8 =	vld [tilespmem:s18+$0xA0];
	[tilespmem:s18+$0x80] =	vst v6  }
0x130: {  	v2 =	vmul.f32 $1.131370830e+01, v3;
	[tilespmem:s18+$0x40] =	vst v0;
	v0 =	vld [tilespmem:s18+$0xB0]  }
0x131: {  	[tilespmem:s18+$0x30] =	vst v4;
	v3 =	vmul.f32 $1.131370830e+01, v1;
	v1 =	vld [tilespmem:s18+$0xC0]  }
0x132: {  	[tilespmem:s18+$0x50] =	vst v2;
	v4 =	vmul.f32 $1.131370830e+01, v5;
	v2 =	vld [tilespmem:s18+$0xD0]  }
0x133: {  	[tilespmem:s18+$0x60] =	vst v3;
	v3 =	vld [tilespmem:s18+$0xE0];
	v5 =	vmul.f32 $1.131370830e+01, v7  }
0x134: {  	s5 =	simm.s32 $0x0;
	s10 =	simm.s32 $0xDF00;
	v6 =	vmul.f32 $1.131370830e+01, v8;
	[tilespmem:s18+$0x70] =	vst v4;
	v4 =	vld [tilespmem:s18+$0xFFFFFF00]  }
.LBB2_9:
0x135: {  	v7 =	vld [tilespmem:s10+$0xF0];
	s5 =	sadd.s32 $0x4, s5;
	[tilespmem:s18+$0x90] =	vst v5;
	v0 =	vmul.f32 $1.131370830e+01, v0  }
0x136: {  	v5 =	vld [tilespmem:s10+$0xFFFFFF10];
	p1 =	slt.u32 s5, $0x7C;
	[tilespmem:s18+$0xA0] =	vst v6;
	v1 =	vmul.f32 $1.131370830e+01, v1  }
0x137: {  	v6 =	vld [tilespmem:s10+$0xFFFFFF20];
	[tilespmem:s18+$0xB0] =	vst v0;
	v0 =	vmul.f32 $1.131370830e+01, v2  }
0x138: {  	v2 =	vld [tilespmem:s10+$0xFFFFFF30];
	[tilespmem:s18+$0xC0] =	vst v1;
	v1 =	vmul.f32 $1.131370830e+01, v3  }
0x139: {  	v3 =	vld [tilespmem:s10+$0xFFFFFF40];
	v4 =	vmul.f32 $1.131370830e+01, v4;
	[tilespmem:s18+$0xD0] =	vst v0  }
0x13a: {  	v0 =	vld [tilespmem:s10+$0xFFFFFF50];
	v7 =	vmul.f32 $1.131370830e+01, v7;
	[tilespmem:s18+$0xE0] =	vst v1  }
0x13b: {  	v1 =	vmul.f32 $1.131370830e+01, v5;
	v5 =	vld [tilespmem:s10+$0xFFFFFF60];
	[tilespmem:s18+$0xFFFFFF00] =	vst v4;
	s18 =	smov.u32 s10  }
0x13c: {  	v4 =	vmul.f32 $1.131370830e+01, v6;
	v6 =	vld [tilespmem:s10+$0xFFFFFF70];
	[tilespmem:s10+$0xF0] =	vst v7  }
0x13d: {  	[tilespmem:s10+$0xFFFFFF10] =	vst v1;
	v1 =	vmul.f32 $1.131370830e+01, v2;
	v2 =	vld [tilespmem:s10+$0xFFFFFF80]  }
0x13e: {  	[tilespmem:s10+$0xFFFFFF20] =	vst v4;
	v3 =	vmul.f32 $1.131370830e+01, v3;
	v4 =	vld [tilespmem:s10+$0xFFFFFF90]  }
0x13f: {  	[tilespmem:s10+$0xFFFFFF30] =	vst v1;
	v0 =	vmul.f32 $1.131370830e+01, v0;
	v1 =	vld [tilespmem:s10+$0xFFFFFFA0]  }
0x140: {  	[tilespmem:s10+$0xFFFFFF40] =	vst v3;
	v3 =	vmul.f32 $1.131370830e+01, v5;
	v5 =	vld [tilespmem:s10+$0xFFFFFFB0]  }
0x141: {  	[tilespmem:s10+$0xFFFFFF50] =	vst v0;
	v0 =	vmul.f32 $1.131370830e+01, v6;
	v6 =	vld [tilespmem:s10+$0xFFFFFFC0]  }
0x142: {  	[tilespmem:s10+$0xFFFFFF60] =	vst v3;
	v2 =	vmul.f32 $1.131370830e+01, v2;
	v3 =	vld [tilespmem:s10+$0xFFFFFFD0]  }
0x143: {  	[tilespmem:s10+$0xFFFFFF70] =	vst v0;
	v0 =	vmul.f32 $1.131370830e+01, v4;
	v4 =	vld [tilespmem:s10+$0xFFFFFFE0]  }
0x144: {  	[tilespmem:s10+$0xFFFFFF80] =	vst v2;
	v1 =	vmul.f32 $1.131370830e+01, v1;
	v2 =	vld [tilespmem:s10+$0xFFFFFFF0]  }
0x145: {  	[tilespmem:s10+$0xFFFFFF90] =	vst v0;
	v0 =	vmul.f32 $1.131370830e+01, v5;
	v5 =	vld [tilespmem:s10+$0x0]  }
0x146: {  	[tilespmem:s10+$0xFFFFFFA0] =	vst v1;
	v1 =	vmul.f32 $1.131370830e+01, v6;
	v6 =	vld [tilespmem:s10+$0x10]  }
0x147: {  	[tilespmem:s10+$0xFFFFFFB0] =	vst v0;
	v0 =	vmul.f32 $1.131370830e+01, v3;
	v3 =	vld [tilespmem:s10+$0x20]  }
0x148: {  	[tilespmem:s10+$0xFFFFFFC0] =	vst v1;
	v1 =	vmul.f32 $1.131370830e+01, v4;
	v4 =	vld [tilespmem:s10+$0x30]  }
0x149: {  	[tilespmem:s10+$0xFFFFFFD0] =	vst v0;
	v0 =	vmul.f32 $1.131370830e+01, v2;
	v2 =	vld [tilespmem:s10+$0x40]  }
0x14a: {  	[tilespmem:s10+$0xFFFFFFE0] =	vst v1;
	v1 =	vmul.f32 $1.131370830e+01, v5;
	v5 =	vld [tilespmem:s10+$0x50]  }
0x14b: {  	[tilespmem:s10+$0xFFFFFFF0] =	vst v0;
	v0 =	vmul.f32 $1.131370830e+01, v6;
	v6 =	vld [tilespmem:s10+$0x60]  }
0x14c: {  	[tilespmem:s10+$0x0] =	vst v1;
	v1 =	vmul.f32 $1.131370830e+01, v3;
	v3 =	vld [tilespmem:s10+$0x70]  }
0x14d: {  	[tilespmem:s10+$0x10] =	vst v0;
	v0 =	vmul.f32 $1.131370830e+01, v4;
	v4 =	vld [tilespmem:s10+$0x80]  }
0x14e: {  	[tilespmem:s10+$0x20] =	vst v1;
	v1 =	vmul.f32 $1.131370830e+01, v2;
	v7 =	vld [tilespmem:s10+$0x90]  }
0x14f: {  	[tilespmem:s10+$0x30] =	vst v0;
	v2 =	vmul.f32 $1.131370830e+01, v5;
	v8 =	vld [tilespmem:s10+$0xA0]  }
.Ltmp3:
0x150: {  	[tilespmem:s10+$0x40] =	vst v1;
	v5 =	vmul.f32 $1.131370830e+01, v6;
	v0 =	vld [tilespmem:s10+$0xB0];
	(pc) =	sbr.rel @p1 .LBB2_9-.Ltmp3, $4  }
0x151: {  	[tilespmem:s10+$0x50] =	vst v2;
	v3 =	vmul.f32 $1.131370830e+01, v3;
	v1 =	vld [tilespmem:s10+$0xC0]  }
0x152: {  	[tilespmem:s10+$0x60] =	vst v5;
	v6 =	vmul.f32 $1.131370830e+01, v4;
	v2 =	vld [tilespmem:s10+$0xD0]  }
0x153: {  	[tilespmem:s10+$0x70] =	vst v3;
	v5 =	vmul.f32 $1.131370830e+01, v7;
	v3 =	vld [tilespmem:s10+$0xE0]  }
0x154: {  	s10 =	sadd.s32 $0x200, s10;
	v4 =	vld [tilespmem:s18+$0xFFFFFF00];
	[tilespmem:s18+$0x80] =	vst v6;
	v6 =	vmul.f32 $1.131370830e+01, v8  }
0x155: {  	[tilespmem:s18+$0x90] =	vst v5;
	v0 =	vmul.f32 $1.131370830e+01, v0  }
0x156: {  	[tilespmem:s18+$0xA0] =	vst v6;
	v1 =	vmul.f32 $1.131370830e+01, v1  }
0x157: {  	[tilespmem:s18+$0xB0] =	vst v0;
	v0 =	vmul.f32 $1.131370830e+01, v2  }
0x158: {  	s5 =	sshll.u32 s12, $0x13;
	[tilespmem:s18+$0xC0] =	vst v1;
	v1 =	vmul.f32 $1.131370830e+01, v3  }
0x159: {  	s5 =	sor.u32 s6, s5;
	v2 =	vmul.f32 $1.131370830e+01, v4;
	[tilespmem:s18+$0xD0] =	vst v0  }
0x15a: {  	s5 =	sshrl.u32 s5, $0x3;
	[tilespmem:s18+$0xE0] =	vst v1  }
0x15b: {  	s5 =	sadd.s32 s3, s5;
	[tilespmem:s18+$0xFFFFFF00] =	vst v2  }
0x15c: {  	[hbm4b:s5+s4] =	stream.linear.scatter [tilespmem:s21], [sflag:$0x9], $0x4000, $0x38;
	[tilespmem:$0x15C00] =	vst v63  }
0x15d: {  	_ =	swait.ge [sflag:s29], $0x4000  }
0x15e: {  	[sflag:s29] =	ssyncset.done $0x0  }
0x15f: {  	[sflag:s29] =	ssyncadd.s32 $0xFFFFC000  }
0x160: {  	_ =	swait.ge [sflag:s30], $0x4000  }
0x161: {  	s10 =	simm.s32 @!p0 $0x9C00;
	[sflag:s30] =	ssyncset.done $0x0  }
0x162: {  	s5 =	sadd.s32 @!p0 $0x380, s7;
	s7 =	simm.s32 @!p0 $0x80;
	[sflag:s30] =	ssyncadd.s32 $0xFFFFC000  }
0x163: {  	[tilespmem:s10], [sflag:$0x3] =	stream.indirect.gather @!p0 [hbm4b:s1+s7], $0x80, s5, s7, $0xb8;
	[tilespmem:$0x15C00] =	vst v63  }
0x164: {  	s7 =	simm.s32 $0x11D00  }
0x165: {  	v0 =	vld [tilespmem:s7+$0xF0]  }
0x166: {  	v1 =	vld [tilespmem:s7+$0xFFFFFF10]  }
0x167: {  	v2 =	vld [tilespmem:s7+$0xFFFFFF20]  }
0x168: {  	v3 =	vld [tilespmem:s7+$0xFFFFFF30]  }
0x169: {  	v6 =	vld [tilespmem:s7+$0xFFFFFF60]  }
0x16a: {  	v4 =	vld [tilespmem:s7+$0xFFFFFF40]  }
0x16b: {  	v5 =	vld [tilespmem:s7+$0xFFFFFF50];
	v0 =	vmul.f32 $1.131370830e+01, v0  }
0x16c: {  	v8 =	vld [tilespmem:s7+$0xFFFFFF80];
	v1 =	vmul.f32 $1.131370830e+01, v1  }
0x16d: {  	v7 =	vld [tilespmem:s7+$0xFFFFFF70];
	v2 =	vmul.f32 $1.131370830e+01, v2;
	[tilespmem:s7+$0xF0] =	vst v0  }
0x16e: {  	v6 =	vmul.f32 $1.131370830e+01, v6;
	v0 =	vld [tilespmem:s7+$0xFFFFFF90];
	[tilespmem:s7+$0xFFFFFF10] =	vst v1  }
0x16f: {  	v1 =	vmul.f32 $1.131370830e+01, v3;
	v3 =	vld [tilespmem:s7+$0xFFFFFFA0];
	[tilespmem:s7+$0xFFFFFF20] =	vst v2;
	v2 =	vmul.f32 $1.131370830e+01, v4  }
0x170: {  	[tilespmem:s7+$0xFFFFFF60] =	vst v6;
	v6 =	vld [tilespmem:s7+$0xFFFFFFF0]  }
0x171: {  	v4 =	vld [tilespmem:s7+$0xFFFFFFB0];
	[tilespmem:s7+$0xFFFFFF40] =	vst v2;
	v2 =	vmul.f32 $1.131370830e+01, v8  }
0x172: {  	[tilespmem:s7+$0xFFFFFF30] =	vst v1;
	v1 =	vmul.f32 $1.131370830e+01, v5;
	v5 =	vld [tilespmem:s7+$0xFFFFFFC0]  }
0x173: {  	v8 =	vld [tilespmem:s7+$0xFFFFFFD0];
	[tilespmem:s7+$0xFFFFFF80] =	vst v2;
	v2 =	vmul.f32 $1.131370830e+01, v7  }
0x174: {  	[tilespmem:s7+$0xFFFFFF50] =	vst v1;
	v1 =	vld [tilespmem:s7+$0xFFFFFFE0];
	v0 =	vmul.f32 $1.131370830e+01, v0  }
0x175: {  	v7 =	vld [tilespmem:s7+$0x30];
	v6 =	vmul.f32 $1.131370830e+01, v6;
	[tilespmem:s7+$0xFFFFFF70] =	vst v2  }
0x176: {  	v2 =	vmul.f32 $1.131370830e+01, v3;
	v3 =	vld [tilespmem:s7+$0x0];
	[tilespmem:s7+$0xFFFFFF90] =	vst v0  }
0x177: {  	v0 =	vmul.f32 $1.131370830e+01, v4;
	v4 =	vld [tilespmem:s7+$0x10];
	[tilespmem:s7+$0xFFFFFFF0] =	vst v6  }
0x178: {  	[tilespmem:s7+$0xFFFFFFA0] =	vst v2;
	v2 =	vmul.f32 $1.131370830e+01, v5;
	v5 =	vld [tilespmem:s7+$0x20]  }
0x179: {  	v6 =	vld [tilespmem:s7+$0x80];
	[tilespmem:s7+$0xFFFFFFB0] =	vst v0;
	v0 =	vmul.f32 $1.131370830e+01, v8  }
0x17a: {  	v1 =	vmul.f32 $1.131370830e+01, v1;
	[tilespmem:s7+$0xFFFFFFC0] =	vst v2;
	v2 =	vld [tilespmem:s7+$0x40]  }
0x17b: {  	[tilespmem:s7+$0xFFFFFFD0] =	vst v0;
	v0 =	vmul.f32 $1.131370830e+01, v3  }
0x17c: {  	v3 =	vld [tilespmem:s7+$0x50];
	[tilespmem:s7+$0xFFFFFFE0] =	vst v1;
	v4 =	vmul.f32 $1.131370830e+01, v4  }
0x17d: {  	v1 =	vld [tilespmem:s7+$0x60];
	[tilespmem:s7+$0x0] =	vst v0;
	v0 =	vmul.f32 $1.131370830e+01, v5  }
0x17e: {  	v6 =	vmul.f32 $1.131370830e+01, v6;
	v5 =	vld [tilespmem:s7+$0x70];
	[tilespmem:s7+$0x10] =	vst v4  }
0x17f: {  	v4 =	vmul.f32 $1.131370830e+01, v7;
	v7 =	vld [tilespmem:s7+$0x90];
	[tilespmem:s7+$0x20] =	vst v0;
	v0 =	vmul.f32 $1.131370830e+01, v2  }
0x180: {  	v8 =	vld [tilespmem:s7+$0xA0];
	[tilespmem:s7+$0x80] =	vst v6  }
0x181: {  	v2 =	vmul.f32 $1.131370830e+01, v3;
	[tilespmem:s7+$0x40] =	vst v0;
	v0 =	vld [tilespmem:s7+$0xB0]  }
0x182: {  	[tilespmem:s7+$0x30] =	vst v4;
	v3 =	vmul.f32 $1.131370830e+01, v1;
	v1 =	vld [tilespmem:s7+$0xC0]  }
0x183: {  	[tilespmem:s7+$0x50] =	vst v2;
	v4 =	vmul.f32 $1.131370830e+01, v5;
	v2 =	vld [tilespmem:s7+$0xD0]  }
0x184: {  	[tilespmem:s7+$0x60] =	vst v3;
	v3 =	vld [tilespmem:s7+$0xE0];
	v5 =	vmul.f32 $1.131370830e+01, v7  }
0x185: {  	s5 =	simm.s32 $0x0;
	s10 =	simm.s32 $0x11F00;
	v6 =	vmul.f32 $1.131370830e+01, v8;
	[tilespmem:s7+$0x70] =	vst v4;
	v4 =	vld [tilespmem:s7+$0xFFFFFF00]  }
.LBB2_11:
0x186: {  	v7 =	vld [tilespmem:s10+$0xF0];
	s5 =	sadd.s32 $0x4, s5;
	[tilespmem:s7+$0x90] =	vst v5;
	v0 =	vmul.f32 $1.131370830e+01, v0  }
0x187: {  	v5 =	vld [tilespmem:s10+$0xFFFFFF10];
	p0 =	slt.u32 s5, $0x7C;
	[tilespmem:s7+$0xA0] =	vst v6;
	v1 =	vmul.f32 $1.131370830e+01, v1  }
0x188: {  	v6 =	vld [tilespmem:s10+$0xFFFFFF20];
	[tilespmem:s7+$0xB0] =	vst v0;
	v0 =	vmul.f32 $1.131370830e+01, v2  }
0x189: {  	v2 =	vld [tilespmem:s10+$0xFFFFFF30];
	[tilespmem:s7+$0xC0] =	vst v1;
	v1 =	vmul.f32 $1.131370830e+01, v3  }
0x18a: {  	v3 =	vld [tilespmem:s10+$0xFFFFFF40];
	v4 =	vmul.f32 $1.131370830e+01, v4;
	[tilespmem:s7+$0xD0] =	vst v0  }
0x18b: {  	v0 =	vld [tilespmem:s10+$0xFFFFFF50];
	v7 =	vmul.f32 $1.131370830e+01, v7;
	[tilespmem:s7+$0xE0] =	vst v1  }
0x18c: {  	v1 =	vmul.f32 $1.131370830e+01, v5;
	v5 =	vld [tilespmem:s10+$0xFFFFFF60];
	[tilespmem:s7+$0xFFFFFF00] =	vst v4;
	s7 =	smov.u32 s10  }
0x18d: {  	v4 =	vmul.f32 $1.131370830e+01, v6;
	v6 =	vld [tilespmem:s10+$0xFFFFFF70];
	[tilespmem:s10+$0xF0] =	vst v7  }
0x18e: {  	[tilespmem:s10+$0xFFFFFF10] =	vst v1;
	v1 =	vmul.f32 $1.131370830e+01, v2;
	v2 =	vld [tilespmem:s10+$0xFFFFFF80]  }
0x18f: {  	[tilespmem:s10+$0xFFFFFF20] =	vst v4;
	v3 =	vmul.f32 $1.131370830e+01, v3;
	v4 =	vld [tilespmem:s10+$0xFFFFFF90]  }
0x190: {  	[tilespmem:s10+$0xFFFFFF30] =	vst v1;
	v0 =	vmul.f32 $1.131370830e+01, v0;
	v1 =	vld [tilespmem:s10+$0xFFFFFFA0]  }
0x191: {  	[tilespmem:s10+$0xFFFFFF40] =	vst v3;
	v3 =	vmul.f32 $1.131370830e+01, v5;
	v5 =	vld [tilespmem:s10+$0xFFFFFFB0]  }
0x192: {  	[tilespmem:s10+$0xFFFFFF50] =	vst v0;
	v0 =	vmul.f32 $1.131370830e+01, v6;
	v6 =	vld [tilespmem:s10+$0xFFFFFFC0]  }
0x193: {  	[tilespmem:s10+$0xFFFFFF60] =	vst v3;
	v2 =	vmul.f32 $1.131370830e+01, v2;
	v3 =	vld [tilespmem:s10+$0xFFFFFFD0]  }
0x194: {  	[tilespmem:s10+$0xFFFFFF70] =	vst v0;
	v0 =	vmul.f32 $1.131370830e+01, v4;
	v4 =	vld [tilespmem:s10+$0xFFFFFFE0]  }
0x195: {  	[tilespmem:s10+$0xFFFFFF80] =	vst v2;
	v1 =	vmul.f32 $1.131370830e+01, v1;
	v2 =	vld [tilespmem:s10+$0xFFFFFFF0]  }
0x196: {  	[tilespmem:s10+$0xFFFFFF90] =	vst v0;
	v0 =	vmul.f32 $1.131370830e+01, v5;
	v5 =	vld [tilespmem:s10+$0x0]  }
0x197: {  	[tilespmem:s10+$0xFFFFFFA0] =	vst v1;
	v1 =	vmul.f32 $1.131370830e+01, v6;
	v6 =	vld [tilespmem:s10+$0x10]  }
0x198: {  	[tilespmem:s10+$0xFFFFFFB0] =	vst v0;
	v0 =	vmul.f32 $1.131370830e+01, v3;
	v3 =	vld [tilespmem:s10+$0x20]  }
0x199: {  	[tilespmem:s10+$0xFFFFFFC0] =	vst v1;
	v1 =	vmul.f32 $1.131370830e+01, v4;
	v4 =	vld [tilespmem:s10+$0x30]  }
0x19a: {  	[tilespmem:s10+$0xFFFFFFD0] =	vst v0;
	v0 =	vmul.f32 $1.131370830e+01, v2;
	v2 =	vld [tilespmem:s10+$0x40]  }
0x19b: {  	[tilespmem:s10+$0xFFFFFFE0] =	vst v1;
	v1 =	vmul.f32 $1.131370830e+01, v5;
	v5 =	vld [tilespmem:s10+$0x50]  }
0x19c: {  	[tilespmem:s10+$0xFFFFFFF0] =	vst v0;
	v0 =	vmul.f32 $1.131370830e+01, v6;
	v6 =	vld [tilespmem:s10+$0x60]  }
0x19d: {  	[tilespmem:s10+$0x0] =	vst v1;
	v1 =	vmul.f32 $1.131370830e+01, v3;
	v3 =	vld [tilespmem:s10+$0x70]  }
0x19e: {  	[tilespmem:s10+$0x10] =	vst v0;
	v0 =	vmul.f32 $1.131370830e+01, v4;
	v4 =	vld [tilespmem:s10+$0x80]  }
0x19f: {  	[tilespmem:s10+$0x20] =	vst v1;
	v1 =	vmul.f32 $1.131370830e+01, v2;
	v7 =	vld [tilespmem:s10+$0x90]  }
0x1a0: {  	[tilespmem:s10+$0x30] =	vst v0;
	v2 =	vmul.f32 $1.131370830e+01, v5;
	v8 =	vld [tilespmem:s10+$0xA0]  }
.Ltmp4:
0x1a1: {  	[tilespmem:s10+$0x40] =	vst v1;
	v5 =	vmul.f32 $1.131370830e+01, v6;
	v0 =	vld [tilespmem:s10+$0xB0];
	(pc) =	sbr.rel @p0 .LBB2_11-.Ltmp4, $4  }
0x1a2: {  	[tilespmem:s10+$0x50] =	vst v2;
	v3 =	vmul.f32 $1.131370830e+01, v3;
	v1 =	vld [tilespmem:s10+$0xC0]  }
0x1a3: {  	[tilespmem:s10+$0x60] =	vst v5;
	v6 =	vmul.f32 $1.131370830e+01, v4;
	v2 =	vld [tilespmem:s10+$0xD0]  }
0x1a4: {  	[tilespmem:s10+$0x70] =	vst v3;
	v5 =	vmul.f32 $1.131370830e+01, v7;
	v3 =	vld [tilespmem:s10+$0xE0]  }
0x1a5: {  	s10 =	sadd.s32 $0x200, s10;
	v4 =	vld [tilespmem:s7+$0xFFFFFF00];
	[tilespmem:s7+$0x80] =	vst v6;
	v6 =	vmul.f32 $1.131370830e+01, v8  }
0x1a6: {  	[tilespmem:s7+$0x90] =	vst v5;
	v0 =	vmul.f32 $1.131370830e+01, v0  }
0x1a7: {  	s11 =	sadd.s32 $0x1, s11;
	[tilespmem:s7+$0xA0] =	vst v6;
	v1 =	vmul.f32 $1.131370830e+01, v1  }
0x1a8: {  	p0 =	sne.s32 s11, $0xA;
	[tilespmem:s7+$0xB0] =	vst v0;
	v61 =	vmul.f32 $1.131370830e+01, v2  }
.Ltmp5:
0x1a9: {  	s5 =	sshll.u32 s13, $0x13;
	[tilespmem:s7+$0xC0] =	vst v1;
	v62 =	vmul.f32 $1.131370830e+01, v3;
	(pc) =	sbr.rel @p0 .LBB2_2-.Ltmp5, $4  }
0x1aa: {  	s5 =	sor.u32 s6, s5;
	v63 =	vmul.f32 $1.131370830e+01, v4;
	[tilespmem:s7+$0xD0] =	vst v61  }
0x1ab: {  	s5 =	sshrl.u32 s5, $0x3;
	[tilespmem:s7+$0xE0] =	vst v62  }
0x1ac: {  	s5 =	sadd.s32 s3, s5;
	[tilespmem:s7+$0xFFFFFF00] =	vst v63  }
0x1ad: {  	[hbm4b:s5+s4] =	stream.linear.scatter [tilespmem:s23], [sflag:$0xA], $0x4000, $0x38;
	[tilespmem:$0x15C00] =	vst v63  }
0x1ae: {  	_ =	swait.ge [sflag:s31], $0x4000  }
0x1af: {  	[sflag:s31] =	ssyncset.done $0x0  }
0x1b0: {  	[sflag:s31] =	ssyncadd.s32 $0xFFFFC000  }
0x1b1: {  	_ =	swait.ge [sflag:s0], $0x4000  }
0x1b2: {  	s2 =	sadd.s32 $0x1, s2;
	s5 =	rddreg [dreg:$0x6]  }
0x1b3: {  	p0 =	sne.s32 s2, s5  }
.Ltmp6:
0x1b4: {  	_ = 	snop;
	(pc) =	sbr.rel @p0 .LBB2_1-.Ltmp6, $3  }
0x1b5: {  	_ =	sdelay $0x1  }
0x1b6: {  	[sflag:s0] =	ssyncset.done $0x0  }
0x1b7: {  	[sflag:s0] =	ssyncadd.s32 $0xFFFFC000  }
0x1b8: {  	_ =	sfence.sel $0x180000  }
0x1b9: {  	[bflag:$0x0] =	sbarrier.arrive $0xFFFF  }
0x1ba: {  	_ =	strace $0x90000047  }
0x1bb: {  	s0 =	stileid.u32;
	[bflag:$0x2] =	sbarrier.arrive $0xFFFF  }
0x1bc: {  	p0 =	sne.s32 s0, $0x0;
	s0 =	rddreg [dreg:$0x3]  }
0x1bd: {  	s0 =	sadd.s32 @!p0 $0x100000, s0  }
0x1be: {  	[sflag:s0] =	ssyncadd.tile.s32 @!p0 $0x1;
	_ =	shalt  }
.Lfunc_end2:
_tile_overlayer_lowered:
.L_overlay_start_2:
0x1bf: {  	(tag) =	ssettag $0x2  }
0x1c0: {  	s0 =	rddreg [dreg:$0x0];
	s2 =	stileid.u32  }
0x1c1: {  	s1 =	rddreg [dreg:$0x1];
	p0 =	sne.s32 s2, $0x0  }
0x1c2: {  	s3 =	rddreg [dreg:$0x2];
	[bflag:$0x3] =	sbarrier.arrive $0xFFFF;
	s2 =	simm.s32 @!p0 $0x1C0B  }
0x1c3: {  	[timem:s3], [sflag:s2] =	dma.local @!p0 [hbm:s0], s1  }
0x1c4: {  	s0 =	simm.s32 @!p0 $0xB  }
0x1c5: {  	_ =	swait.ge @!p0 [sflag:s0], s1  }
0x1c6: {  	s1 =	ssub.s32 @!p0 $0x0, s1;
	[sflag:s0] =	ssyncset.done @!p0 $0x0  }
0x1c7: {  	[sflag:s0] =	ssyncadd.s32 @!p0 s1  }
0x1c8: {  	[bflag:$0x3] =	sbarrier.arrive $0xFFFF  }
0x1c9: {  	_ =	shalt  }

</sc_bundles>
